<compile_context>
chip_gen: v7x
topology: tpu7x:2x2x1
jax: 0.10.2.dev20260603
libtpu: 0.0.44.dev20260713+nightly
codegen_flags: <defaults>
</compile_context>

<pallas_src>
import functools

import jax
import jax.numpy as jnp
from jax import lax
from jax.experimental import pallas as pl
from jax.experimental.pallas import tpu as pltpu
from jax.experimental.pallas import tpu_sc as plsc

N_NODES = 10000
D = 128
N_EDGES = 320000

NC = 2
NS = 16
NW = NC * NS

CHUNK = 128
EPW = 10240
NCHUNK = EPW // CHUNK
E_PAD = NW * EPW
UNROLL = 4

AGG_ROWS = 10112
ZROWS = AGG_ROWS // NS
OROWS = ZROWS

_mesh = plsc.VectorSubcoreMesh(core_axis_name="c", subcore_axis_name="s")


@functools.partial(
    pl.kernel,
    out_type=jax.ShapeDtypeStruct((NC, AGG_ROWS, D), jnp.float32),
    mesh=_mesh,
    scratch_types=[
        pltpu.VMEM((UNROLL, CHUNK), jnp.int32),
        pltpu.VMEM((UNROLL, CHUNK), jnp.int32),
        pltpu.VMEM((2, CHUNK, D), jnp.float32),
        pltpu.VMEM_SHARED((AGG_ROWS, D), jnp.float32),
        pltpu.SemaphoreType.DMA,
        pltpu.SemaphoreType.DMA,
        pltpu.SemaphoreType.DMA,
        pltpu.SemaphoreType.DMA,
        pltpu.SemaphoreType.DMA,
    ],
)
def _sc_aggregate(x_hbm, src_hbm, dst_hbm, out_hbm,
                  srcb, dstb, rows_v, agg_sh,
                  gsem0, gsem1, ssem0, ssem1, isem):
    cid = lax.axis_index("c")
    sid = lax.axis_index("s")
    wid = cid * NS + sid
    gsem = (gsem0, gsem1)
    ssem = (ssem0, ssem1)
    ebase = wid * EPW

    zero16 = jnp.zeros((16,), jnp.float32)

    def _zero_row(r, carry):
        for j in range(D // 16):
            rows_v[0, r, pl.ds(j * 16, 16)] = zero16
        return carry

    lax.fori_loop(0, CHUNK, _zero_row, 0)

    zbase = sid * ZROWS
    zfull, zrem = divmod(ZROWS, CHUNK)
    for k in range(zfull):
        pltpu.sync_copy(rows_v.at[0],
                        agg_sh.at[pl.ds(zbase + k * CHUNK, CHUNK)])
    if zrem:
        pltpu.sync_copy(rows_v.at[0, pl.ds(0, zrem)],
                        agg_sh.at[pl.ds(zbase + zfull * CHUNK, zrem)])

    plsc.subcore_barrier()

    def issue_idx(c, r):
        off = ebase + c * CHUNK
        pltpu.async_copy(src_hbm.at[pl.ds(off, CHUNK)], srcb.at[r], isem)
        pltpu.async_copy(dst_hbm.at[pl.ds(off, CHUNK)], dstb.at[r], isem)

    def wait_idx():
        pltpu.make_async_copy(src_hbm.at[pl.ds(0, CHUNK)],
                              srcb.at[0], isem).wait()
        pltpu.make_async_copy(dst_hbm.at[pl.ds(0, CHUNK)],
                              dstb.at[0], isem).wait()

    def issue_gather(c, r, p):
        pltpu.async_copy(x_hbm.at[srcb.at[r]], rows_v.at[p], gsem[p])

    def wait_gather(p):
        pltpu.make_async_copy(x_hbm.at[srcb.at[0]],
                              rows_v.at[p], gsem[p]).wait()

    def issue_scatter(r, p):
        pltpu.async_copy(rows_v.at[p], agg_sh.at[dstb.at[r]],
                         ssem[p], add=True)

    def wait_scatter(p):
        pltpu.make_async_copy(rows_v.at[p], agg_sh.at[dstb.at[0]],
                              ssem[p]).wait()

    pltpu.sync_copy(src_hbm.at[pl.ds(ebase, CHUNK)], srcb.at[0])
    pltpu.sync_copy(dst_hbm.at[pl.ds(ebase, CHUNK)], dstb.at[0])
    issue_gather(0, 0, 0)
    issue_idx(1, 1)

    def _body(t, carry):
        for j in range(UNROLL):
            c = t * UNROLL + j
            p = j % 2
            wait_gather(p)
            issue_scatter(j, p)
            wait_idx()

            @pl.when(c >= 1)
            def _drain():
                wait_scatter(1 - p)

            issue_gather(c + 1, (j + 1) % UNROLL, 1 - p)
            issue_idx(c + 2, (j + 2) % UNROLL)
        return carry

    lax.fori_loop(0, NCHUNK // UNROLL, _body, 0)

    wait_gather(NCHUNK % 2)
    wait_idx()
    wait_scatter((NCHUNK - 1) % 2)

    plsc.subcore_barrier()

    obase = sid * OROWS
    pltpu.sync_copy(agg_sh.at[pl.ds(obase, OROWS)],
                    out_hbm.at[cid, pl.ds(obase, OROWS)])


def _tc_body(p_ref, w_ref, b_ref, o_ref):
    acc = p_ref[0] + p_ref[1]
    y = lax.dot_general(acc, w_ref[...], (((1,), (1,)), ((), ())),
                        preferred_element_type=jnp.float32)
    o_ref[...] = jnp.maximum(y + b_ref[...], 0.0)


_BLK = 2000

_tc_apply = pl.pallas_call(
    _tc_body,
    grid=(N_NODES // _BLK,),
    in_specs=[
        pl.BlockSpec((NC, _BLK, D), lambda i: (0, i, 0)),
        pl.BlockSpec((D, D), lambda i: (0, 0)),
        pl.BlockSpec((1, D), lambda i: (0, 0)),
    ],
    out_specs=pl.BlockSpec((_BLK, D), lambda i: (i, 0)),
    out_shape=jax.ShapeDtypeStruct((N_NODES, D), jnp.float32),
)


def kernel(x, edge_index, W, b):
    src = edge_index[0].astype(jnp.int32)
    dst = edge_index[1].astype(jnp.int32)
    pad = E_PAD - N_EDGES
    over = 2 * CHUNK
    src = jnp.concatenate([src, jnp.zeros((pad + over,), jnp.int32)])
    dst = jnp.concatenate([dst, jnp.full((pad,), N_NODES, jnp.int32),
                           jnp.zeros((over,), jnp.int32)])
    partials = _sc_aggregate(x, src, dst)
    return _tc_apply(partials, W, b.reshape(1, D))

# --- scband reference (transcript-rebuilt; emitter-appended) ---
"""Pipeline reference for scband-graph-conv-layer-2637109919861 (READ-ONLY COPY).

The authoritative reference and input builder live on the scoring server;
editing this copy changes nothing except your own understanding.
"""

import jax, jax.numpy as jnp
import numpy as np

N_NODES = 10000
N_EDGES = 320000
D_IN = 128
D_OUT = 128


def setup_inputs(seed: int = 0) -> dict:
    key = jax.random.key(seed)
    k1, k2, k3, k4 = jax.random.split(key, 4)
    x = jax.random.normal(k1, (N_NODES, D_IN), dtype=jnp.float32)
    edge_index = jax.random.randint(k2, (2, N_EDGES), 0, N_NODES, dtype=jnp.int64)
    # Linear layer params (nn.Linear(in_feats, out_feats)): W [out, in], b [out]
    bound = 1.0 / np.sqrt(D_IN)
    W = jax.random.uniform(k3, (D_OUT, D_IN), minval=-bound, maxval=bound, dtype=jnp.float32)
    b = jax.random.uniform(k4, (D_OUT,), minval=-bound, maxval=bound, dtype=jnp.float32)
    return {"x": x, "edge_index": edge_index, "W": W, "b": b}


def reference(x, edge_index, W, b):
    # gcn_msg = copy_src('h' -> 'm'): gather source-node features per edge
    src = edge_index[0]
    dst = edge_index[1]
    messages = jnp.take(x, src, axis=0)  # [E, d_in]
    # gcn_reduce = sum('m' -> 'h'): scatter-add messages to destination nodes
    agg = jax.ops.segment_sum(messages, dst, num_segments=N_NODES)  # [N, d_in]
    # NodeApplyModule: linear + activation
    h = agg @ W.T + b
    h = jax.nn.relu(h)
    return h

if __name__ == "__main__":
    import jax
    _d = setup_inputs()
    print(jax.jit(kernel)(*tuple(_d.values())))

</pallas_src>

<mosaic_0001>
#map = affine_map<(d0, d1) -> (0, 0)>
#map1 = affine_map<(d0, d1) -> (0)>
#map2 = affine_map<(d0, d1) -> (0, 0, 0)>
module attributes {stable_mosaic.version = 14 : i64} {
  func.func @_sc_aggregate(%arg0: i32, %arg1: i32, %arg2: memref<10000x128xf32, #tpu.memory_space<hbm>>, %arg3: memref<327936xi32, #tpu.memory_space<hbm>>, %arg4: memref<327936xi32, #tpu.memory_space<hbm>>, %arg5: memref<2x10112x128xf32, #tpu.memory_space<hbm>>, %arg6: memref<4x128xi32, #tpu.memory_space<vmem>>, %arg7: memref<4x128xi32, #tpu.memory_space<vmem>>, %arg8: memref<2x128x128xf32, #tpu.memory_space<vmem>>, %arg9: memref<10112x128xf32, #tpu.memory_space<vmem_shared>>, %arg10: memref<!tpu.dma_semaphore, #tpu.memory_space<semaphore_mem>>, %arg11: memref<!tpu.dma_semaphore, #tpu.memory_space<semaphore_mem>>, %arg12: memref<!tpu.dma_semaphore, #tpu.memory_space<semaphore_mem>>, %arg13: memref<!tpu.dma_semaphore, #tpu.memory_space<semaphore_mem>>, %arg14: memref<!tpu.dma_semaphore, #tpu.memory_space<semaphore_mem>>) attributes {dimension_semantics = [#tpu.dimension_semantics<core_parallel>, #tpu.dimension_semantics<subcore_parallel>], iteration_bounds = array<i64: 2, 16>, scalar_prefetch = 0 : i64, scratch_operands = 9 : i64, tpu.core_type = #tpu.core_type<sc_vector_subcore>, window_params = [{transform_indices = #map}, {transform_indices = #map1}, {transform_indices = #map1}, {transform_indices = #map2}]} {
    %mul3A = arith.constant 16 : i32
    %mul3A_0 = arith.muli %arg0, %mul3A : i32
    %add3A = arith.addi %mul3A_0, %arg1 : i32
    %mul3A_1 = arith.constant 10240 : i32
    %mul3A_2 = arith.muli %add3A, %mul3A_1 : i32
    %broadcast_in_dim3A = arith.constant 0.000000e+00 : f32
    %broadcast_in_dim3A_3 = vector.broadcast %broadcast_in_dim3A : f32 to vector<16xf32>
    %scan3A = arith.constant 0 : i32
    %scan3A_4 = arith.constant 0 : i32
    %scan3A_5 = arith.constant 128 : i32
    %scan3A_6 = arith.addi %scan3A_4, %scan3A_5 : i32
    %scan3A_7 = arith.constant 1 : i32
    scf.for %scan3A_112 = %scan3A_4 to %scan3A_6 step %scan3A_7  : i32 {
      %swap3A = arith.constant 0 : i32
      %swap3A_113 = arith.index_cast %swap3A : i32 to index
      %swap3A_114 = arith.index_cast %scan3A_112 : i32 to index
      %swap3A_115 = arith.constant 0 : index
      %swap3A_116 = tpu.vector_load %arg8[%swap3A_113, %swap3A_114, %swap3A_115] {strides = array<i32>} : memref<2x128x128xf32, #tpu.memory_space<vmem>>, vector<1x1x16xf32>,
      %swap3A_117 = vector.shape_cast %swap3A_116 : vector<1x1x16xf32> to vector<16xf32>
      %swap3A_118 = vector.shape_cast %broadcast_in_dim3A_3 : vector<16xf32> to vector<1x1x16xf32>
      tpu.vector_store %arg8[%swap3A_113, %swap3A_114, %swap3A_115], %swap3A_118 {strides = array<i32>} : memref<2x128x128xf32, #tpu.memory_space<vmem>>, vector<1x1x16xf32>,
      %swap3A_119 = arith.constant 0 : i32
      %swap3A_120 = arith.index_cast %swap3A_119 : i32 to index
      %swap3A_121 = arith.index_cast %scan3A_112 : i32 to index
      %swap3A_122 = arith.constant 16 : index
      %swap3A_123 = tpu.vector_load %arg8[%swap3A_120, %swap3A_121, %swap3A_122] {strides = array<i32>} : memref<2x128x128xf32, #tpu.memory_space<vmem>>, vector<1x1x16xf32>,
      %swap3A_124 = vector.shape_cast %swap3A_123 : vector<1x1x16xf32> to vector<16xf32>
      %swap3A_125 = vector.shape_cast %broadcast_in_dim3A_3 : vector<16xf32> to vector<1x1x16xf32>
      tpu.vector_store %arg8[%swap3A_120, %swap3A_121, %swap3A_122], %swap3A_125 {strides = array<i32>} : memref<2x128x128xf32, #tpu.memory_space<vmem>>, vector<1x1x16xf32>,
      %swap3A_126 = arith.constant 0 : i32
      %swap3A_127 = arith.index_cast %swap3A_126 : i32 to index
      %swap3A_128 = arith.index_cast %scan3A_112 : i32 to index
      %swap3A_129 = arith.constant 32 : index
      %swap3A_130 = tpu.vector_load %arg8[%swap3A_127, %swap3A_128, %swap3A_129] {strides = array<i32>} : memref<2x128x128xf32, #tpu.memory_space<vmem>>, vector<1x1x16xf32>,
      %swap3A_131 = vector.shape_cast %swap3A_130 : vector<1x1x16xf32> to vector<16xf32>
      %swap3A_132 = vector.shape_cast %broadcast_in_dim3A_3 : vector<16xf32> to vector<1x1x16xf32>
      tpu.vector_store %arg8[%swap3A_127, %swap3A_128, %swap3A_129], %swap3A_132 {strides = array<i32>} : memref<2x128x128xf32, #tpu.memory_space<vmem>>, vector<1x1x16xf32>,
      %swap3A_133 = arith.constant 0 : i32
      %swap3A_134 = arith.index_cast %swap3A_133 : i32 to index
      %swap3A_135 = arith.index_cast %scan3A_112 : i32 to index
      %swap3A_136 = arith.constant 48 : index
      %swap3A_137 = tpu.vector_load %arg8[%swap3A_134, %swap3A_135, %swap3A_136] {strides = array<i32>} : memref<2x128x128xf32, #tpu.memory_space<vmem>>, vector<1x1x16xf32>,
      %swap3A_138 = vector.shape_cast %swap3A_137 : vector<1x1x16xf32> to vector<16xf32>
      %swap3A_139 = vector.shape_cast %broadcast_in_dim3A_3 : vector<16xf32> to vector<1x1x16xf32>
      tpu.vector_store %arg8[%swap3A_134, %swap3A_135, %swap3A_136], %swap3A_139 {strides = array<i32>} : memref<2x128x128xf32, #tpu.memory_space<vmem>>, vector<1x1x16xf32>,
      %swap3A_140 = arith.constant 0 : i32
      %swap3A_141 = arith.index_cast %swap3A_140 : i32 to index
      %swap3A_142 = arith.index_cast %scan3A_112 : i32 to index
      %swap3A_143 = arith.constant 64 : index
      %swap3A_144 = tpu.vector_load %arg8[%swap3A_141, %swap3A_142, %swap3A_143] {strides = array<i32>} : memref<2x128x128xf32, #tpu.memory_space<vmem>>, vector<1x1x16xf32>,
      %swap3A_145 = vector.shape_cast %swap3A_144 : vector<1x1x16xf32> to vector<16xf32>
      %swap3A_146 = vector.shape_cast %broadcast_in_dim3A_3 : vector<16xf32> to vector<1x1x16xf32>
      tpu.vector_store %arg8[%swap3A_141, %swap3A_142, %swap3A_143], %swap3A_146 {strides = array<i32>} : memref<2x128x128xf32, #tpu.memory_space<vmem>>, vector<1x1x16xf32>,
      %swap3A_147 = arith.constant 0 : i32
      %swap3A_148 = arith.index_cast %swap3A_147 : i32 to index
      %swap3A_149 = arith.index_cast %scan3A_112 : i32 to index
      %swap3A_150 = arith.constant 80 : index
      %swap3A_151 = tpu.vector_load %arg8[%swap3A_148, %swap3A_149, %swap3A_150] {strides = array<i32>} : memref<2x128x128xf32, #tpu.memory_space<vmem>>, vector<1x1x16xf32>,
      %swap3A_152 = vector.shape_cast %swap3A_151 : vector<1x1x16xf32> to vector<16xf32>
      %swap3A_153 = vector.shape_cast %broadcast_in_dim3A_3 : vector<16xf32> to vector<1x1x16xf32>
      tpu.vector_store %arg8[%swap3A_148, %swap3A_149, %swap3A_150], %swap3A_153 {strides = array<i32>} : memref<2x128x128xf32, #tpu.memory_space<vmem>>, vector<1x1x16xf32>,
      %swap3A_154 = arith.constant 0 : i32
      %swap3A_155 = arith.index_cast %swap3A_154 : i32 to index
      %swap3A_156 = arith.index_cast %scan3A_112 : i32 to index
      %swap3A_157 = arith.constant 96 : index
      %swap3A_158 = tpu.vector_load %arg8[%swap3A_155, %swap3A_156, %swap3A_157] {strides = array<i32>} : memref<2x128x128xf32, #tpu.memory_space<vmem>>, vector<1x1x16xf32>,
      %swap3A_159 = vector.shape_cast %swap3A_158 : vector<1x1x16xf32> to vector<16xf32>
      %swap3A_160 = vector.shape_cast %broadcast_in_dim3A_3 : vector<16xf32> to vector<1x1x16xf32>
      tpu.vector_store %arg8[%swap3A_155, %swap3A_156, %swap3A_157], %swap3A_160 {strides = array<i32>} : memref<2x128x128xf32, #tpu.memory_space<vmem>>, vector<1x1x16xf32>,
      %swap3A_161 = arith.constant 0 : i32
      %swap3A_162 = arith.index_cast %swap3A_161 : i32 to index
      %swap3A_163 = arith.index_cast %scan3A_112 : i32 to index
      %swap3A_164 = arith.constant 112 : index
      %swap3A_165 = tpu.vector_load %arg8[%swap3A_162, %swap3A_163, %swap3A_164] {strides = array<i32>} : memref<2x128x128xf32, #tpu.memory_space<vmem>>, vector<1x1x16xf32>,
      %swap3A_166 = vector.shape_cast %swap3A_165 : vector<1x1x16xf32> to vector<16xf32>
      %swap3A_167 = vector.shape_cast %broadcast_in_dim3A_3 : vector<16xf32> to vector<1x1x16xf32>
      tpu.vector_store %arg8[%swap3A_162, %swap3A_163, %swap3A_164], %swap3A_167 {strides = array<i32>} : memref<2x128x128xf32, #tpu.memory_space<vmem>>, vector<1x1x16xf32>,
    }
    %scan3A_8 = arith.constant 128 : i32
    %mul3A_9 = arith.constant 632 : i32
    %mul3A_10 = arith.muli %arg1, %mul3A_9 : i32
    %add3A_11 = arith.constant 0 : i32
    %add3A_12 = arith.addi %mul3A_10, %add3A_11 : i32
    %run_scoped3A = arith.constant 0 : i32
    "tpu.region"() ({
      %run_scoped3A_112 = tpu.sem_alloc : memref<!tpu.dma_semaphore, #tpu.memory_space<semaphore_mem>>
      %dma_start3A_113 = arith.constant 0 : i32
      %dma_start3A_114 = arith.constant 0 : i32
      %dma_start3A_115 = tpu.memref_slice %arg8[%run_scoped3A, %dma_start3A_113, %dma_start3A_114] : memref<2x128x128xf32, #tpu.memory_space<vmem>> -> memref<1x128x128xf32, #tpu.memory_space<vmem>>
      %dma_start3A_116 = tpu.memref_squeeze %dma_start3A_115 : memref<1x128x128xf32, #tpu.memory_space<vmem>> -> memref<128x128xf32, #tpu.memory_space<vmem>>
      %dma_start3A_117 = arith.constant 0 : i32
      %dma_start3A_118 = tpu.memref_slice %arg9[%add3A_12, %dma_start3A_117] : memref<10112x128xf32, #tpu.memory_space<vmem_shared>> -> memref<128x128xf32, #tpu.memory_space<vmem_shared>>
      %dma_start3A_119 = arith.constant 0 : i32
      %dma_start3A_120 = tpu.memref_slice %arg9[%add3A_12, %dma_start3A_119] : memref<10112x128xf32, #tpu.memory_space<vmem_shared>> -> memref<128x128xf32, #tpu.memory_space<vmem_shared>>
      %dma_start3A_121 = arith.constant 0 : i32
      %dma_start3A_122 = arith.constant 0 : i32
      %dma_start3A_123 = tpu.memref_slice %arg8[%run_scoped3A, %dma_start3A_121, %dma_start3A_122] : memref<2x128x128xf32, #tpu.memory_space<vmem>> -> memref<1x128x128xf32, #tpu.memory_space<vmem>>
      %dma_start3A_124 = tpu.memref_squeeze %dma_start3A_123 : memref<1x128x128xf32, #tpu.memory_space<vmem>> -> memref<128x128xf32, #tpu.memory_space<vmem>>
      tpu.enqueue_dma source(%dma_start3A_124 : memref<128x128xf32, #tpu.memory_space<vmem>>) target(%dma_start3A_120 : memref<128x128xf32, #tpu.memory_space<vmem_shared>>) target_semaphore(%run_scoped3A_112 : memref<!tpu.dma_semaphore, #tpu.memory_space<semaphore_mem>>)
      %dma_wait3A_125 = arith.constant 0 : i32
      %dma_wait3A_126 = arith.constant 0 : i32
      %dma_wait3A_127 = tpu.memref_slice %arg8[%run_scoped3A, %dma_wait3A_125, %dma_wait3A_126] : memref<2x128x128xf32, #tpu.memory_space<vmem>> -> memref<1x128x128xf32, #tpu.memory_space<vmem>>
      %dma_wait3A_128 = tpu.memref_squeeze %dma_wait3A_127 : memref<1x128x128xf32, #tpu.memory_space<vmem>> -> memref<128x128xf32, #tpu.memory_space<vmem>>
      %dma_wait3A_129 = arith.constant 0 : i32
      %dma_wait3A_130 = tpu.memref_slice %arg9[%add3A_12, %dma_wait3A_129] : memref<10112x128xf32, #tpu.memory_space<vmem_shared>> -> memref<128x128xf32, #tpu.memory_space<vmem_shared>>
      %dma_wait3A_131 = arith.constant 0 : i32
      %dma_wait3A_132 = tpu.memref_slice %arg9[%add3A_12, %dma_wait3A_131] : memref<10112x128xf32, #tpu.memory_space<vmem_shared>> -> memref<128x128xf32, #tpu.memory_space<vmem_shared>>
      %dma_wait3A_133 = arith.constant 0 : i32
      %dma_wait3A_134 = arith.constant 0 : i32
      %dma_wait3A_135 = tpu.memref_slice %arg8[%run_scoped3A, %dma_wait3A_133, %dma_wait3A_134] : memref<2x128x128xf32, #tpu.memory_space<vmem>> -> memref<1x128x128xf32, #tpu.memory_space<vmem>>
      %dma_wait3A_136 = tpu.memref_squeeze %dma_wait3A_135 : memref<1x128x128xf32, #tpu.memory_space<vmem>> -> memref<128x128xf32, #tpu.memory_space<vmem>>
      tpu.wait_dma2 semaphore(%run_scoped3A_112 : memref<!tpu.dma_semaphore, #tpu.memory_space<semaphore_mem>>) src(%dma_wait3A_136 : memref<128x128xf32, #tpu.memory_space<vmem>>) dst(%dma_wait3A_132 : memref<128x128xf32, #tpu.memory_space<vmem_shared>>)
      tpu.yield
    }) : () -> ()
    %add3A_13 = arith.constant 128 : i32
    %add3A_14 = arith.addi %mul3A_10, %add3A_13 : i32
    %run_scoped3A_15 = arith.constant 0 : i32
    "tpu.region"() ({
      %run_scoped3A_112 = tpu.sem_alloc : memref<!tpu.dma_semaphore, #tpu.memory_space<semaphore_mem>>
      %dma_start3A_113 = arith.constant 0 : i32
      %dma_start3A_114 = arith.constant 0 : i32
      %dma_start3A_115 = tpu.memref_slice %arg8[%run_scoped3A_15, %dma_start3A_113, %dma_start3A_114] : memref<2x128x128xf32, #tpu.memory_space<vmem>> -> memref<1x128x128xf32, #tpu.memory_space<vmem>>
      %dma_start3A_116 = tpu.memref_squeeze %dma_start3A_115 : memref<1x128x128xf32, #tpu.memory_space<vmem>> -> memref<128x128xf32, #tpu.memory_space<vmem>>
      %dma_start3A_117 = arith.constant 0 : i32
      %dma_start3A_118 = tpu.memref_slice %arg9[%add3A_14, %dma_start3A_117] : memref<10112x128xf32, #tpu.memory_space<vmem_shared>> -> memref<128x128xf32, #tpu.memory_space<vmem_shared>>
      %dma_start3A_119 = arith.constant 0 : i32
      %dma_start3A_120 = tpu.memref_slice %arg9[%add3A_14, %dma_start3A_119] : memref<10112x128xf32, #tpu.memory_space<vmem_shared>> -> memref<128x128xf32, #tpu.memory_space<vmem_shared>>
      %dma_start3A_121 = arith.constant 0 : i32
      %dma_start3A_122 = arith.constant 0 : i32
      %dma_start3A_123 = tpu.memref_slice %arg8[%run_scoped3A_15, %dma_start3A_121, %dma_start3A_122] : memref<2x128x128xf32, #tpu.memory_space<vmem>> -> memref<1x128x128xf32, #tpu.memory_space<vmem>>
      %dma_start3A_124 = tpu.memref_squeeze %dma_start3A_123 : memref<1x128x128xf32, #tpu.memory_space<vmem>> -> memref<128x128xf32, #tpu.memory_space<vmem>>
      tpu.enqueue_dma source(%dma_start3A_124 : memref<128x128xf32, #tpu.memory_space<vmem>>) target(%dma_start3A_120 : memref<128x128xf32, #tpu.memory_space<vmem_shared>>) target_semaphore(%run_scoped3A_112 : memref<!tpu.dma_semaphore, #tpu.memory_space<semaphore_mem>>)
      %dma_wait3A_125 = arith.constant 0 : i32
      %dma_wait3A_126 = arith.constant 0 : i32
      %dma_wait3A_127 = tpu.memref_slice %arg8[%run_scoped3A_15, %dma_wait3A_125, %dma_wait3A_126] : memref<2x128x128xf32, #tpu.memory_space<vmem>> -> memref<1x128x128xf32, #tpu.memory_space<vmem>>
      %dma_wait3A_128 = tpu.memref_squeeze %dma_wait3A_127 : memref<1x128x128xf32, #tpu.memory_space<vmem>> -> memref<128x128xf32, #tpu.memory_space<vmem>>
      %dma_wait3A_129 = arith.constant 0 : i32
      %dma_wait3A_130 = tpu.memref_slice %arg9[%add3A_14, %dma_wait3A_129] : memref<10112x128xf32, #tpu.memory_space<vmem_shared>> -> memref<128x128xf32, #tpu.memory_space<vmem_shared>>
      %dma_wait3A_131 = arith.constant 0 : i32
      %dma_wait3A_132 = tpu.memref_slice %arg9[%add3A_14, %dma_wait3A_131] : memref<10112x128xf32, #tpu.memory_space<vmem_shared>> -> memref<128x128xf32, #tpu.memory_space<vmem_shared>>
      %dma_wait3A_133 = arith.constant 0 : i32
      %dma_wait3A_134 = arith.constant 0 : i32
      %dma_wait3A_135 = tpu.memref_slice %arg8[%run_scoped3A_15, %dma_wait3A_133, %dma_wait3A_134] : memref<2x128x128xf32, #tpu.memory_space<vmem>> -> memref<1x128x128xf32, #tpu.memory_space<vmem>>
      %dma_wait3A_136 = tpu.memref_squeeze %dma_wait3A_135 : memref<1x128x128xf32, #tpu.memory_space<vmem>> -> memref<128x128xf32, #tpu.memory_space<vmem>>
      tpu.wait_dma2 semaphore(%run_scoped3A_112 : memref<!tpu.dma_semaphore, #tpu.memory_space<semaphore_mem>>) src(%dma_wait3A_136 : memref<128x128xf32, #tpu.memory_space<vmem>>) dst(%dma_wait3A_132 : memref<128x128xf32, #tpu.memory_space<vmem_shared>>)
      tpu.yield
    }) : () -> ()
    %add3A_16 = arith.constant 256 : i32
    %add3A_17 = arith.addi %mul3A_10, %add3A_16 : i32
    %run_scoped3A_18 = arith.constant 0 : i32
    "tpu.region"() ({
      %run_scoped3A_112 = tpu.sem_alloc : memref<!tpu.dma_semaphore, #tpu.memory_space<semaphore_mem>>
      %dma_start3A_113 = arith.constant 0 : i32
      %dma_start3A_114 = arith.constant 0 : i32
      %dma_start3A_115 = tpu.memref_slice %arg8[%run_scoped3A_18, %dma_start3A_113, %dma_start3A_114] : memref<2x128x128xf32, #tpu.memory_space<vmem>> -> memref<1x128x128xf32, #tpu.memory_space<vmem>>
      %dma_start3A_116 = tpu.memref_squeeze %dma_start3A_115 : memref<1x128x128xf32, #tpu.memory_space<vmem>> -> memref<128x128xf32, #tpu.memory_space<vmem>>
      %dma_start3A_117 = arith.constant 0 : i32
      %dma_start3A_118 = tpu.memref_slice %arg9[%add3A_17, %dma_start3A_117] : memref<10112x128xf32, #tpu.memory_space<vmem_shared>> -> memref<128x128xf32, #tpu.memory_space<vmem_shared>>
      %dma_start3A_119 = arith.constant 0 : i32
      %dma_start3A_120 = tpu.memref_slice %arg9[%add3A_17, %dma_start3A_119] : memref<10112x128xf32, #tpu.memory_space<vmem_shared>> -> memref<128x128xf32, #tpu.memory_space<vmem_shared>>
      %dma_start3A_121 = arith.constant 0 : i32
      %dma_start3A_122 = arith.constant 0 : i32
      %dma_start3A_123 = tpu.memref_slice %arg8[%run_scoped3A_18, %dma_start3A_121, %dma_start3A_122] : memref<2x128x128xf32, #tpu.memory_space<vmem>> -> memref<1x128x128xf32, #tpu.memory_space<vmem>>
      %dma_start3A_124 = tpu.memref_squeeze %dma_start3A_123 : memref<1x128x128xf32, #tpu.memory_space<vmem>> -> memref<128x128xf32, #tpu.memory_space<vmem>>
      tpu.enqueue_dma source(%dma_start3A_124 : memref<128x128xf32, #tpu.memory_space<vmem>>) target(%dma_start3A_120 : memref<128x128xf32, #tpu.memory_space<vmem_shared>>) target_semaphore(%run_scoped3A_112 : memref<!tpu.dma_semaphore, #tpu.memory_space<semaphore_mem>>)
      %dma_wait3A_125 = arith.constant 0 : i32
      %dma_wait3A_126 = arith.constant 0 : i32
      %dma_wait3A_127 = tpu.memref_slice %arg8[%run_scoped3A_18, %dma_wait3A_125, %dma_wait3A_126] : memref<2x128x128xf32, #tpu.memory_space<vmem>> -> memref<1x128x128xf32, #tpu.memory_space<vmem>>
      %dma_wait3A_128 = tpu.memref_squeeze %dma_wait3A_127 : memref<1x128x128xf32, #tpu.memory_space<vmem>> -> memref<128x128xf32, #tpu.memory_space<vmem>>
      %dma_wait3A_129 = arith.constant 0 : i32
      %dma_wait3A_130 = tpu.memref_slice %arg9[%add3A_17, %dma_wait3A_129] : memref<10112x128xf32, #tpu.memory_space<vmem_shared>> -> memref<128x128xf32, #tpu.memory_space<vmem_shared>>
      %dma_wait3A_131 = arith.constant 0 : i32
      %dma_wait3A_132 = tpu.memref_slice %arg9[%add3A_17, %dma_wait3A_131] : memref<10112x128xf32, #tpu.memory_space<vmem_shared>> -> memref<128x128xf32, #tpu.memory_space<vmem_shared>>
      %dma_wait3A_133 = arith.constant 0 : i32
      %dma_wait3A_134 = arith.constant 0 : i32
      %dma_wait3A_135 = tpu.memref_slice %arg8[%run_scoped3A_18, %dma_wait3A_133, %dma_wait3A_134] : memref<2x128x128xf32, #tpu.memory_space<vmem>> -> memref<1x128x128xf32, #tpu.memory_space<vmem>>
      %dma_wait3A_136 = tpu.memref_squeeze %dma_wait3A_135 : memref<1x128x128xf32, #tpu.memory_space<vmem>> -> memref<128x128xf32, #tpu.memory_space<vmem>>
      tpu.wait_dma2 semaphore(%run_scoped3A_112 : memref<!tpu.dma_semaphore, #tpu.memory_space<semaphore_mem>>) src(%dma_wait3A_136 : memref<128x128xf32, #tpu.memory_space<vmem>>) dst(%dma_wait3A_132 : memref<128x128xf32, #tpu.memory_space<vmem_shared>>)
      tpu.yield
    }) : () -> ()
    %add3A_19 = arith.constant 384 : i32
    %add3A_20 = arith.addi %mul3A_10, %add3A_19 : i32
    %run_scoped3A_21 = arith.constant 0 : i32
    "tpu.region"() ({
      %run_scoped3A_112 = tpu.sem_alloc : memref<!tpu.dma_semaphore, #tpu.memory_space<semaphore_mem>>
      %dma_start3A_113 = arith.constant 0 : i32
      %dma_start3A_114 = arith.constant 0 : i32
      %dma_start3A_115 = tpu.memref_slice %arg8[%run_scoped3A_21, %dma_start3A_113, %dma_start3A_114] : memref<2x128x128xf32, #tpu.memory_space<vmem>> -> memref<1x128x128xf32, #tpu.memory_space<vmem>>
      %dma_start3A_116 = tpu.memref_squeeze %dma_start3A_115 : memref<1x128x128xf32, #tpu.memory_space<vmem>> -> memref<128x128xf32, #tpu.memory_space<vmem>>
      %dma_start3A_117 = arith.constant 0 : i32
      %dma_start3A_118 = tpu.memref_slice %arg9[%add3A_20, %dma_start3A_117] : memref<10112x128xf32, #tpu.memory_space<vmem_shared>> -> memref<128x128xf32, #tpu.memory_space<vmem_shared>>
      %dma_start3A_119 = arith.constant 0 : i32
      %dma_start3A_120 = tpu.memref_slice %arg9[%add3A_20, %dma_start3A_119] : memref<10112x128xf32, #tpu.memory_space<vmem_shared>> -> memref<128x128xf32, #tpu.memory_space<vmem_shared>>
      %dma_start3A_121 = arith.constant 0 : i32
      %dma_start3A_122 = arith.constant 0 : i32
      %dma_start3A_123 = tpu.memref_slice %arg8[%run_scoped3A_21, %dma_start3A_121, %dma_start3A_122] : memref<2x128x128xf32, #tpu.memory_space<vmem>> -> memref<1x128x128xf32, #tpu.memory_space<vmem>>
      %dma_start3A_124 = tpu.memref_squeeze %dma_start3A_123 : memref<1x128x128xf32, #tpu.memory_space<vmem>> -> memref<128x128xf32, #tpu.memory_space<vmem>>
      tpu.enqueue_dma source(%dma_start3A_124 : memref<128x128xf32, #tpu.memory_space<vmem>>) target(%dma_start3A_120 : memref<128x128xf32, #tpu.memory_space<vmem_shared>>) target_semaphore(%run_scoped3A_112 : memref<!tpu.dma_semaphore, #tpu.memory_space<semaphore_mem>>)
      %dma_wait3A_125 = arith.constant 0 : i32
      %dma_wait3A_126 = arith.constant 0 : i32
      %dma_wait3A_127 = tpu.memref_slice %arg8[%run_scoped3A_21, %dma_wait3A_125, %dma_wait3A_126] : memref<2x128x128xf32, #tpu.memory_space<vmem>> -> memref<1x128x128xf32, #tpu.memory_space<vmem>>
      %dma_wait3A_128 = tpu.memref_squeeze %dma_wait3A_127 : memref<1x128x128xf32, #tpu.memory_space<vmem>> -> memref<128x128xf32, #tpu.memory_space<vmem>>
      %dma_wait3A_129 = arith.constant 0 : i32
      %dma_wait3A_130 = tpu.memref_slice %arg9[%add3A_20, %dma_wait3A_129] : memref<10112x128xf32, #tpu.memory_space<vmem_shared>> -> memref<128x128xf32, #tpu.memory_space<vmem_shared>>
      %dma_wait3A_131 = arith.constant 0 : i32
      %dma_wait3A_132 = tpu.memref_slice %arg9[%add3A_20, %dma_wait3A_131] : memref<10112x128xf32, #tpu.memory_space<vmem_shared>> -> memref<128x128xf32, #tpu.memory_space<vmem_shared>>
      %dma_wait3A_133 = arith.constant 0 : i32
      %dma_wait3A_134 = arith.constant 0 : i32
      %dma_wait3A_135 = tpu.memref_slice %arg8[%run_scoped3A_21, %dma_wait3A_133, %dma_wait3A_134] : memref<2x128x128xf32, #tpu.memory_space<vmem>> -> memref<1x128x128xf32, #tpu.memory_space<vmem>>
      %dma_wait3A_136 = tpu.memref_squeeze %dma_wait3A_135 : memref<1x128x128xf32, #tpu.memory_space<vmem>> -> memref<128x128xf32, #tpu.memory_space<vmem>>
      tpu.wait_dma2 semaphore(%run_scoped3A_112 : memref<!tpu.dma_semaphore, #tpu.memory_space<semaphore_mem>>) src(%dma_wait3A_136 : memref<128x128xf32, #tpu.memory_space<vmem>>) dst(%dma_wait3A_132 : memref<128x128xf32, #tpu.memory_space<vmem_shared>>)
      tpu.yield
    }) : () -> ()
    %add3A_22 = arith.constant 512 : i32
    %add3A_23 = arith.addi %mul3A_10, %add3A_22 : i32
    %run_scoped3A_24 = arith.constant 0 : i32
    "tpu.region"() ({
      %run_scoped3A_112 = tpu.sem_alloc : memref<!tpu.dma_semaphore, #tpu.memory_space<semaphore_mem>>
      %dma_start3A_113 = arith.constant 0 : i32
      %dma_start3A_114 = arith.constant 0 : i32
      %dma_start3A_115 = tpu.memref_slice %arg8[%run_scoped3A_24, %dma_start3A_113, %dma_start3A_114] : memref<2x128x128xf32, #tpu.memory_space<vmem>> -> memref<1x120x128xf32, #tpu.memory_space<vmem>>
      %dma_start3A_116 = tpu.memref_squeeze %dma_start3A_115 : memref<1x120x128xf32, #tpu.memory_space<vmem>> -> memref<120x128xf32, #tpu.memory_space<vmem>>
      %dma_start3A_117 = arith.constant 0 : i32
      %dma_start3A_118 = tpu.memref_slice %arg9[%add3A_23, %dma_start3A_117] : memref<10112x128xf32, #tpu.memory_space<vmem_shared>> -> memref<120x128xf32, #tpu.memory_space<vmem_shared>>
      %dma_start3A_119 = arith.constant 0 : i32
      %dma_start3A_120 = tpu.memref_slice %arg9[%add3A_23, %dma_start3A_119] : memref<10112x128xf32, #tpu.memory_space<vmem_shared>> -> memref<120x128xf32, #tpu.memory_space<vmem_shared>>
      %dma_start3A_121 = arith.constant 0 : i32
      %dma_start3A_122 = arith.constant 0 : i32
      %dma_start3A_123 = tpu.memref_slice %arg8[%run_scoped3A_24, %dma_start3A_121, %dma_start3A_122] : memref<2x128x128xf32, #tpu.memory_space<vmem>> -> memref<1x120x128xf32, #tpu.memory_space<vmem>>
      %dma_start3A_124 = tpu.memref_squeeze %dma_start3A_123 : memref<1x120x128xf32, #tpu.memory_space<vmem>> -> memref<120x128xf32, #tpu.memory_space<vmem>>
      tpu.enqueue_dma source(%dma_start3A_124 : memref<120x128xf32, #tpu.memory_space<vmem>>) target(%dma_start3A_120 : memref<120x128xf32, #tpu.memory_space<vmem_shared>>) target_semaphore(%run_scoped3A_112 : memref<!tpu.dma_semaphore, #tpu.memory_space<semaphore_mem>>)
      %dma_wait3A_125 = arith.constant 0 : i32
      %dma_wait3A_126 = arith.constant 0 : i32
      %dma_wait3A_127 = tpu.memref_slice %arg8[%run_scoped3A_24, %dma_wait3A_125, %dma_wait3A_126] : memref<2x128x128xf32, #tpu.memory_space<vmem>> -> memref<1x120x128xf32, #tpu.memory_space<vmem>>
      %dma_wait3A_128 = tpu.memref_squeeze %dma_wait3A_127 : memref<1x120x128xf32, #tpu.memory_space<vmem>> -> memref<120x128xf32, #tpu.memory_space<vmem>>
      %dma_wait3A_129 = arith.constant 0 : i32
      %dma_wait3A_130 = tpu.memref_slice %arg9[%add3A_23, %dma_wait3A_129] : memref<10112x128xf32, #tpu.memory_space<vmem_shared>> -> memref<120x128xf32, #tpu.memory_space<vmem_shared>>
      %dma_wait3A_131 = arith.constant 0 : i32
      %dma_wait3A_132 = tpu.memref_slice %arg9[%add3A_23, %dma_wait3A_131] : memref<10112x128xf32, #tpu.memory_space<vmem_shared>> -> memref<120x128xf32, #tpu.memory_space<vmem_shared>>
      %dma_wait3A_133 = arith.constant 0 : i32
      %dma_wait3A_134 = arith.constant 0 : i32
      %dma_wait3A_135 = tpu.memref_slice %arg8[%run_scoped3A_24, %dma_wait3A_133, %dma_wait3A_134] : memref<2x128x128xf32, #tpu.memory_space<vmem>> -> memref<1x120x128xf32, #tpu.memory_space<vmem>>
      %dma_wait3A_136 = tpu.memref_squeeze %dma_wait3A_135 : memref<1x120x128xf32, #tpu.memory_space<vmem>> -> memref<120x128xf32, #tpu.memory_space<vmem>>
      tpu.wait_dma2 semaphore(%run_scoped3A_112 : memref<!tpu.dma_semaphore, #tpu.memory_space<semaphore_mem>>) src(%dma_wait3A_136 : memref<120x128xf32, #tpu.memory_space<vmem>>) dst(%dma_wait3A_132 : memref<120x128xf32, #tpu.memory_space<vmem_shared>>)
      tpu.yield
    }) : () -> ()
    %barrier3A = arith.constant 0 : index
    tpu.barrier barrier_id(%barrier3A)
    %run_scoped3A_25 = arith.constant 0 : i32
    "tpu.region"() ({
      %run_scoped3A_112 = tpu.sem_alloc : memref<!tpu.dma_semaphore, #tpu.memory_space<semaphore_mem>>
      %dma_start3A_113 = arith.constant 0 : i32
      %dma_start3A_114 = tpu.memref_slice %arg6[%run_scoped3A_25, %dma_start3A_113] : memref<4x128xi32, #tpu.memory_space<vmem>> -> memref<1x128xi32, #tpu.memory_space<vmem>>
      %dma_start3A_115 = tpu.memref_squeeze %dma_start3A_114 : memref<1x128xi32, #tpu.memory_space<vmem>> -> memref<128xi32, #tpu.memory_space<vmem>>
      %dma_start3A_116 = tpu.memref_slice %arg3[%mul3A_2] : memref<327936xi32, #tpu.memory_space<hbm>> -> memref<128xi32, #tpu.memory_space<hbm>>
      %dma_start3A_117 = arith.constant 0 : i32
      %dma_start3A_118 = tpu.memref_slice %arg6[%run_scoped3A_25, %dma_start3A_117] : memref<4x128xi32, #tpu.memory_space<vmem>> -> memref<1x128xi32, #tpu.memory_space<vmem>>
      %dma_start3A_119 = tpu.memref_squeeze %dma_start3A_118 : memref<1x128xi32, #tpu.memory_space<vmem>> -> memref<128xi32, #tpu.memory_space<vmem>>
      %dma_start3A_120 = tpu.memref_slice %arg3[%mul3A_2] : memref<327936xi32, #tpu.memory_space<hbm>> -> memref<128xi32, #tpu.memory_space<hbm>>
      tpu.enqueue_dma source(%dma_start3A_120 : memref<128xi32, #tpu.memory_space<hbm>>) target(%dma_start3A_119 : memref<128xi32, #tpu.memory_space<vmem>>) target_semaphore(%run_scoped3A_112 : memref<!tpu.dma_semaphore, #tpu.memory_space<semaphore_mem>>)
      %dma_wait3A_121 = arith.constant 0 : i32
      %dma_wait3A_122 = tpu.memref_slice %arg6[%run_scoped3A_25, %dma_wait3A_121] : memref<4x128xi32, #tpu.memory_space<vmem>> -> memref<1x128xi32, #tpu.memory_space<vmem>>
      %dma_wait3A_123 = tpu.memref_squeeze %dma_wait3A_122 : memref<1x128xi32, #tpu.memory_space<vmem>> -> memref<128xi32, #tpu.memory_space<vmem>>
      %dma_wait3A_124 = tpu.memref_slice %arg3[%mul3A_2] : memref<327936xi32, #tpu.memory_space<hbm>> -> memref<128xi32, #tpu.memory_space<hbm>>
      %dma_wait3A_125 = arith.constant 0 : i32
      %dma_wait3A_126 = tpu.memref_slice %arg6[%run_scoped3A_25, %dma_wait3A_125] : memref<4x128xi32, #tpu.memory_space<vmem>> -> memref<1x128xi32, #tpu.memory_space<vmem>>
      %dma_wait3A_127 = tpu.memref_squeeze %dma_wait3A_126 : memref<1x128xi32, #tpu.memory_space<vmem>> -> memref<128xi32, #tpu.memory_space<vmem>>
      %dma_wait3A_128 = tpu.memref_slice %arg3[%mul3A_2] : memref<327936xi32, #tpu.memory_space<hbm>> -> memref<128xi32, #tpu.memory_space<hbm>>
      tpu.wait_dma2 semaphore(%run_scoped3A_112 : memref<!tpu.dma_semaphore, #tpu.memory_space<semaphore_mem>>) src(%dma_wait3A_128 : memref<128xi32, #tpu.memory_space<hbm>>) dst(%dma_wait3A_127 : memref<128xi32, #tpu.memory_space<vmem>>)
      tpu.yield
    }) : () -> ()
    %run_scoped3A_26 = arith.constant 0 : i32
    "tpu.region"() ({
      %run_scoped3A_112 = tpu.sem_alloc : memref<!tpu.dma_semaphore, #tpu.memory_space<semaphore_mem>>
      %dma_start3A_113 = arith.constant 0 : i32
      %dma_start3A_114 = tpu.memref_slice %arg7[%run_scoped3A_26, %dma_start3A_113] : memref<4x128xi32, #tpu.memory_space<vmem>> -> memref<1x128xi32, #tpu.memory_space<vmem>>
      %dma_start3A_115 = tpu.memref_squeeze %dma_start3A_114 : memref<1x128xi32, #tpu.memory_space<vmem>> -> memref<128xi32, #tpu.memory_space<vmem>>
      %dma_start3A_116 = tpu.memref_slice %arg4[%mul3A_2] : memref<327936xi32, #tpu.memory_space<hbm>> -> memref<128xi32, #tpu.memory_space<hbm>>
      %dma_start3A_117 = arith.constant 0 : i32
      %dma_start3A_118 = tpu.memref_slice %arg7[%run_scoped3A_26, %dma_start3A_117] : memref<4x128xi32, #tpu.memory_space<vmem>> -> memref<1x128xi32, #tpu.memory_space<vmem>>
      %dma_start3A_119 = tpu.memref_squeeze %dma_start3A_118 : memref<1x128xi32, #tpu.memory_space<vmem>> -> memref<128xi32, #tpu.memory_space<vmem>>
      %dma_start3A_120 = tpu.memref_slice %arg4[%mul3A_2] : memref<327936xi32, #tpu.memory_space<hbm>> -> memref<128xi32, #tpu.memory_space<hbm>>
      tpu.enqueue_dma source(%dma_start3A_120 : memref<128xi32, #tpu.memory_space<hbm>>) target(%dma_start3A_119 : memref<128xi32, #tpu.memory_space<vmem>>) target_semaphore(%run_scoped3A_112 : memref<!tpu.dma_semaphore, #tpu.memory_space<semaphore_mem>>)
      %dma_wait3A_121 = arith.constant 0 : i32
      %dma_wait3A_122 = tpu.memref_slice %arg7[%run_scoped3A_26, %dma_wait3A_121] : memref<4x128xi32, #tpu.memory_space<vmem>> -> memref<1x128xi32, #tpu.memory_space<vmem>>
      %dma_wait3A_123 = tpu.memref_squeeze %dma_wait3A_122 : memref<1x128xi32, #tpu.memory_space<vmem>> -> memref<128xi32, #tpu.memory_space<vmem>>
      %dma_wait3A_124 = tpu.memref_slice %arg4[%mul3A_2] : memref<327936xi32, #tpu.memory_space<hbm>> -> memref<128xi32, #tpu.memory_space<hbm>>
      %dma_wait3A_125 = arith.constant 0 : i32
      %dma_wait3A_126 = tpu.memref_slice %arg7[%run_scoped3A_26, %dma_wait3A_125] : memref<4x128xi32, #tpu.memory_space<vmem>> -> memref<1x128xi32, #tpu.memory_space<vmem>>
      %dma_wait3A_127 = tpu.memref_squeeze %dma_wait3A_126 : memref<1x128xi32, #tpu.memory_space<vmem>> -> memref<128xi32, #tpu.memory_space<vmem>>
      %dma_wait3A_128 = tpu.memref_slice %arg4[%mul3A_2] : memref<327936xi32, #tpu.memory_space<hbm>> -> memref<128xi32, #tpu.memory_space<hbm>>
      tpu.wait_dma2 semaphore(%run_scoped3A_112 : memref<!tpu.dma_semaphore, #tpu.memory_space<semaphore_mem>>) src(%dma_wait3A_128 : memref<128xi32, #tpu.memory_space<hbm>>) dst(%dma_wait3A_127 : memref<128xi32, #tpu.memory_space<vmem>>)
      tpu.yield
    }) : () -> ()
    %dma_start3A = arith.constant 0 : i32
    %dma_start3A_27 = arith.constant 0 : i32
    %dma_start3A_28 = arith.constant 0 : i32
    %dma_start3A_29 = arith.constant 0 : i32
    %dma_start3A_30 = tpu.memref_slice %arg8[%dma_start3A_27, %dma_start3A_28, %dma_start3A_29] : memref<2x128x128xf32, #tpu.memory_space<vmem>> -> memref<1x128x128xf32, #tpu.memory_space<vmem>>
    %dma_start3A_31 = tpu.memref_squeeze %dma_start3A_30 : memref<1x128x128xf32, #tpu.memory_space<vmem>> -> memref<128x128xf32, #tpu.memory_space<vmem>>
    %dma_start3A_32 = arith.constant 0 : i32
    %dma_start3A_33 = tpu.memref_slice %arg6[%dma_start3A, %dma_start3A_32] : memref<4x128xi32, #tpu.memory_space<vmem>> -> memref<1x128xi32, #tpu.memory_space<vmem>>
    %dma_start3A_34 = tpu.memref_squeeze %dma_start3A_33 : memref<1x128xi32, #tpu.memory_space<vmem>> -> memref<128xi32, #tpu.memory_space<vmem>>
    %dma_start3A_35 = arith.constant 0 : i32
    %dma_start3A_36 = arith.constant 0 : i32
    %dma_start3A_37 = tpu.memref_slice %arg2[%dma_start3A_35, %dma_start3A_36] : memref<10000x128xf32, #tpu.memory_space<hbm>> -> memref<10000x128xf32, #tpu.memory_space<hbm>>
    tpu.enqueue_indirect_dma source(%dma_start3A_37 : memref<10000x128xf32, #tpu.memory_space<hbm>>) target(%dma_start3A_31 : memref<128x128xf32, #tpu.memory_space<vmem>>) offsets(%dma_start3A_34 : memref<128xi32, #tpu.memory_space<vmem>>) semaphore(%arg10 : memref<!tpu.dma_semaphore, #tpu.memory_space<semaphore_mem>>)
    %add3A_38 = arith.constant 128 : i32
    %add3A_39 = arith.addi %mul3A_2, %add3A_38 : i32
    %dma_start3A_40 = arith.constant 1 : i32
    %dma_start3A_41 = arith.constant 0 : i32
    %dma_start3A_42 = tpu.memref_slice %arg6[%dma_start3A_40, %dma_start3A_41] : memref<4x128xi32, #tpu.memory_space<vmem>> -> memref<1x128xi32, #tpu.memory_space<vmem>>
    %dma_start3A_43 = tpu.memref_squeeze %dma_start3A_42 : memref<1x128xi32, #tpu.memory_space<vmem>> -> memref<128xi32, #tpu.memory_space<vmem>>
    %dma_start3A_44 = tpu.memref_slice %arg3[%add3A_39] : memref<327936xi32, #tpu.memory_space<hbm>> -> memref<128xi32, #tpu.memory_space<hbm>>
    %dma_start3A_45 = arith.constant 0 : i32
    %dma_start3A_46 = tpu.memref_slice %arg6[%dma_start3A_40, %dma_start3A_45] : memref<4x128xi32, #tpu.memory_space<vmem>> -> memref<1x128xi32, #tpu.memory_space<vmem>>
    %dma_start3A_47 = tpu.memref_squeeze %dma_start3A_46 : memref<1x128xi32, #tpu.memory_space<vmem>> -> memref<128xi32, #tpu.memory_space<vmem>>
    %dma_start3A_48 = tpu.memref_slice %arg3[%add3A_39] : memref<327936xi32, #tpu.memory_space<hbm>> -> memref<128xi32, #tpu.memory_space<hbm>>
    tpu.enqueue_dma source(%dma_start3A_48 : memref<128xi32, #tpu.memory_space<hbm>>) target(%dma_start3A_47 : memref<128xi32, #tpu.memory_space<vmem>>) target_semaphore(%arg14 : memref<!tpu.dma_semaphore, #tpu.memory_space<semaphore_mem>>)
    %dma_start3A_49 = arith.constant 1 : i32
    %dma_start3A_50 = arith.constant 0 : i32
    %dma_start3A_51 = tpu.memref_slice %arg7[%dma_start3A_49, %dma_start3A_50] : memref<4x128xi32, #tpu.memory_space<vmem>> -> memref<1x128xi32, #tpu.memory_space<vmem>>
    %dma_start3A_52 = tpu.memref_squeeze %dma_start3A_51 : memref<1x128xi32, #tpu.memory_space<vmem>> -> memref<128xi32, #tpu.memory_space<vmem>>
    %dma_start3A_53 = tpu.memref_slice %arg4[%add3A_39] : memref<327936xi32, #tpu.memory_space<hbm>> -> memref<128xi32, #tpu.memory_space<hbm>>
    %dma_start3A_54 = arith.constant 0 : i32
    %dma_start3A_55 = tpu.memref_slice %arg7[%dma_start3A_49, %dma_start3A_54] : memref<4x128xi32, #tpu.memory_space<vmem>> -> memref<1x128xi32, #tpu.memory_space<vmem>>
    %dma_start3A_56 = tpu.memref_squeeze %dma_start3A_55 : memref<1x128xi32, #tpu.memory_space<vmem>> -> memref<128xi32, #tpu.memory_space<vmem>>
    %dma_start3A_57 = tpu.memref_slice %arg4[%add3A_39] : memref<327936xi32, #tpu.memory_space<hbm>> -> memref<128xi32, #tpu.memory_space<hbm>>
    tpu.enqueue_dma source(%dma_start3A_57 : memref<128xi32, #tpu.memory_space<hbm>>) target(%dma_start3A_56 : memref<128xi32, #tpu.memory_space<vmem>>) target_semaphore(%arg14 : memref<!tpu.dma_semaphore, #tpu.memory_space<semaphore_mem>>)
    %scan3A_58 = arith.constant 0 : i32
    %scan3A_59 = arith.constant 0 : i32
    %scan3A_60 = arith.constant 20 : i32
    %scan3A_61 = arith.addi %scan3A_59, %scan3A_60 : i32
    %scan3A_62 = arith.constant 1 : i32
    scf.for %scan3A_112 = %scan3A_59 to %scan3A_61 step %scan3A_62  : i32 {
      %mul3A_113 = arith.constant 4 : i32
      %mul3A_114 = arith.muli %scan3A_112, %mul3A_113 : i32
      %add3A_115 = arith.constant 0 : i32
      %add3A_116 = arith.addi %mul3A_114, %add3A_115 : i32
      %dma_wait3A_117 = arith.constant 0 : i32
      %dma_wait3A_118 = arith.constant 0 : i32
      %dma_wait3A_119 = arith.constant 0 : i32
      %dma_wait3A_120 = arith.constant 0 : i32
      %dma_wait3A_121 = tpu.memref_slice %arg8[%dma_wait3A_118, %dma_wait3A_119, %dma_wait3A_120] : memref<2x128x128xf32, #tpu.memory_space<vmem>> -> memref<1x128x128xf32, #tpu.memory_space<vmem>>
      %dma_wait3A_122 = tpu.memref_squeeze %dma_wait3A_121 : memref<1x128x128xf32, #tpu.memory_space<vmem>> -> memref<128x128xf32, #tpu.memory_space<vmem>>
      %dma_wait3A_123 = arith.constant 0 : i32
      %dma_wait3A_124 = tpu.memref_slice %arg6[%dma_wait3A_117, %dma_wait3A_123] : memref<4x128xi32, #tpu.memory_space<vmem>> -> memref<1x128xi32, #tpu.memory_space<vmem>>
      %dma_wait3A_125 = tpu.memref_squeeze %dma_wait3A_124 : memref<1x128xi32, #tpu.memory_space<vmem>> -> memref<128xi32, #tpu.memory_space<vmem>>
      %dma_wait3A_126 = arith.constant 0 : i32
      %dma_wait3A_127 = arith.constant 0 : i32
      %dma_wait3A_128 = tpu.memref_slice %arg2[%dma_wait3A_126, %dma_wait3A_127] : memref<10000x128xf32, #tpu.memory_space<hbm>> -> memref<10000x128xf32, #tpu.memory_space<hbm>>
      tpu.wait_indirect_dma semaphore(%arg10 : memref<!tpu.dma_semaphore, #tpu.memory_space<semaphore_mem>>) src(%dma_wait3A_128 : memref<10000x128xf32, #tpu.memory_space<hbm>>) dst(%dma_wait3A_122 : memref<128x128xf32, #tpu.memory_space<vmem>>)
      %dma_start3A_129 = arith.constant 0 : i32
      %dma_start3A_130 = arith.constant 0 : i32
      %dma_start3A_131 = arith.constant 0 : i32
      %dma_start3A_132 = arith.constant 0 : i32
      %dma_start3A_133 = tpu.memref_slice %arg8[%dma_start3A_129, %dma_start3A_131, %dma_start3A_132] : memref<2x128x128xf32, #tpu.memory_space<vmem>> -> memref<1x128x128xf32, #tpu.memory_space<vmem>>
      %dma_start3A_134 = tpu.memref_squeeze %dma_start3A_133 : memref<1x128x128xf32, #tpu.memory_space<vmem>> -> memref<128x128xf32, #tpu.memory_space<vmem>>
      %dma_start3A_135 = arith.constant 0 : i32
      %dma_start3A_136 = tpu.memref_slice %arg7[%dma_start3A_130, %dma_start3A_135] : memref<4x128xi32, #tpu.memory_space<vmem>> -> memref<1x128xi32, #tpu.memory_space<vmem>>
      %dma_start3A_137 = tpu.memref_squeeze %dma_start3A_136 : memref<1x128xi32, #tpu.memory_space<vmem>> -> memref<128xi32, #tpu.memory_space<vmem>>
      %dma_start3A_138 = arith.constant 0 : i32
      %dma_start3A_139 = arith.constant 0 : i32
      %dma_start3A_140 = tpu.memref_slice %arg9[%dma_start3A_138, %dma_start3A_139] : memref<10112x128xf32, #tpu.memory_space<vmem_shared>> -> memref<10112x128xf32, #tpu.memory_space<vmem_shared>>
      tpu.enqueue_indirect_dma source(%dma_start3A_134 : memref<128x128xf32, #tpu.memory_space<vmem>>) target(%dma_start3A_140 : memref<10112x128xf32, #tpu.memory_space<vmem_shared>>) offsets(%dma_start3A_137 : memref<128xi32, #tpu.memory_space<vmem>>) semaphore(%arg12 : memref<!tpu.dma_semaphore, #tpu.memory_space<semaphore_mem>>) {add = true}
      %dma_wait3A_141 = arith.constant 0 : i32
      %dma_wait3A_142 = arith.constant 0 : i32
      %dma_wait3A_143 = tpu.memref_slice %arg6[%dma_wait3A_141, %dma_wait3A_142] : memref<4x128xi32, #tpu.memory_space<vmem>> -> memref<1x128xi32, #tpu.memory_space<vmem>>
      %dma_wait3A_144 = tpu.memref_squeeze %dma_wait3A_143 : memref<1x128xi32, #tpu.memory_space<vmem>> -> memref<128xi32, #tpu.memory_space<vmem>>
      %dma_wait3A_145 = arith.constant 0 : i32
      %dma_wait3A_146 = tpu.memref_slice %arg3[%dma_wait3A_145] : memref<327936xi32, #tpu.memory_space<hbm>> -> memref<128xi32, #tpu.memory_space<hbm>>
      %dma_wait3A_147 = arith.constant 0 : i32
      %dma_wait3A_148 = tpu.memref_slice %arg6[%dma_wait3A_141, %dma_wait3A_147] : memref<4x128xi32, #tpu.memory_space<vmem>> -> memref<1x128xi32, #tpu.memory_space<vmem>>
      %dma_wait3A_149 = tpu.memref_squeeze %dma_wait3A_148 : memref<1x128xi32, #tpu.memory_space<vmem>> -> memref<128xi32, #tpu.memory_space<vmem>>
      %dma_wait3A_150 = arith.constant 0 : i32
      %dma_wait3A_151 = tpu.memref_slice %arg3[%dma_wait3A_150] : memref<327936xi32, #tpu.memory_space<hbm>> -> memref<128xi32, #tpu.memory_space<hbm>>
      tpu.wait_dma2 semaphore(%arg14 : memref<!tpu.dma_semaphore, #tpu.memory_space<semaphore_mem>>) src(%dma_wait3A_151 : memref<128xi32, #tpu.memory_space<hbm>>) dst(%dma_wait3A_149 : memref<128xi32, #tpu.memory_space<vmem>>)
      %dma_wait3A_152 = arith.constant 0 : i32
      %dma_wait3A_153 = arith.constant 0 : i32
      %dma_wait3A_154 = tpu.memref_slice %arg7[%dma_wait3A_152, %dma_wait3A_153] : memref<4x128xi32, #tpu.memory_space<vmem>> -> memref<1x128xi32, #tpu.memory_space<vmem>>
      %dma_wait3A_155 = tpu.memref_squeeze %dma_wait3A_154 : memref<1x128xi32, #tpu.memory_space<vmem>> -> memref<128xi32, #tpu.memory_space<vmem>>
      %dma_wait3A_156 = arith.constant 0 : i32
      %dma_wait3A_157 = tpu.memref_slice %arg4[%dma_wait3A_156] : memref<327936xi32, #tpu.memory_space<hbm>> -> memref<128xi32, #tpu.memory_space<hbm>>
      %dma_wait3A_158 = arith.constant 0 : i32
      %dma_wait3A_159 = tpu.memref_slice %arg7[%dma_wait3A_152, %dma_wait3A_158] : memref<4x128xi32, #tpu.memory_space<vmem>> -> memref<1x128xi32, #tpu.memory_space<vmem>>
      %dma_wait3A_160 = tpu.memref_squeeze %dma_wait3A_159 : memref<1x128xi32, #tpu.memory_space<vmem>> -> memref<128xi32, #tpu.memory_space<vmem>>
      %dma_wait3A_161 = arith.constant 0 : i32
      %dma_wait3A_162 = tpu.memref_slice %arg4[%dma_wait3A_161] : memref<327936xi32, #tpu.memory_space<hbm>> -> memref<128xi32, #tpu.memory_space<hbm>>
      tpu.wait_dma2 semaphore(%arg14 : memref<!tpu.dma_semaphore, #tpu.memory_space<semaphore_mem>>) src(%dma_wait3A_162 : memref<128xi32, #tpu.memory_space<hbm>>) dst(%dma_wait3A_160 : memref<128xi32, #tpu.memory_space<vmem>>)
      %ge3A = arith.constant 1 : i32
      %ge3A_163 = arith.cmpi sge, %add3A_116, %ge3A : i32
      %convert_element_type3A = arith.extui %ge3A_163 : i1 to i32
      %cond3A = arith.constant 0 : i32
      %cond3A_164 = arith.cmpi ne, %convert_element_type3A, %cond3A : i32
      scf.if %cond3A_164 {
        %dma_wait3A_478 = arith.constant 1 : i32
        %dma_wait3A_479 = arith.constant 0 : i32
        %dma_wait3A_480 = arith.constant 0 : i32
        %dma_wait3A_481 = arith.constant 0 : i32
        %dma_wait3A_482 = tpu.memref_slice %arg8[%dma_wait3A_478, %dma_wait3A_480, %dma_wait3A_481] : memref<2x128x128xf32, #tpu.memory_space<vmem>> -> memref<1x128x128xf32, #tpu.memory_space<vmem>>
        %dma_wait3A_483 = tpu.memref_squeeze %dma_wait3A_482 : memref<1x128x128xf32, #tpu.memory_space<vmem>> -> memref<128x128xf32, #tpu.memory_space<vmem>>
        %dma_wait3A_484 = arith.constant 0 : i32
        %dma_wait3A_485 = tpu.memref_slice %arg7[%dma_wait3A_479, %dma_wait3A_484] : memref<4x128xi32, #tpu.memory_space<vmem>> -> memref<1x128xi32, #tpu.memory_space<vmem>>
        %dma_wait3A_486 = tpu.memref_squeeze %dma_wait3A_485 : memref<1x128xi32, #tpu.memory_space<vmem>> -> memref<128xi32, #tpu.memory_space<vmem>>
        %dma_wait3A_487 = arith.constant 0 : i32
        %dma_wait3A_488 = arith.constant 0 : i32
        %dma_wait3A_489 = tpu.memref_slice %arg9[%dma_wait3A_487, %dma_wait3A_488] : memref<10112x128xf32, #tpu.memory_space<vmem_shared>> -> memref<10112x128xf32, #tpu.memory_space<vmem_shared>>
        tpu.wait_indirect_dma semaphore(%arg13 : memref<!tpu.dma_semaphore, #tpu.memory_space<semaphore_mem>>) src(%dma_wait3A_483 : memref<128x128xf32, #tpu.memory_space<vmem>>) dst(%dma_wait3A_489 : memref<10112x128xf32, #tpu.memory_space<vmem_shared>>)
      } else {
      }
      %add3A_165 = arith.constant 1 : i32
      %add3A_166 = arith.addi %add3A_116, %add3A_165 : i32
      %dma_start3A_167 = arith.constant 1 : i32
      %dma_start3A_168 = arith.constant 1 : i32
      %dma_start3A_169 = arith.constant 0 : i32
      %dma_start3A_170 = arith.constant 0 : i32
      %dma_start3A_171 = tpu.memref_slice %arg8[%dma_start3A_168, %dma_start3A_169, %dma_start3A_170] : memref<2x128x128xf32, #tpu.memory_space<vmem>> -> memref<1x128x128xf32, #tpu.memory_space<vmem>>
      %dma_start3A_172 = tpu.memref_squeeze %dma_start3A_171 : memref<1x128x128xf32, #tpu.memory_space<vmem>> -> memref<128x128xf32, #tpu.memory_space<vmem>>
      %dma_start3A_173 = arith.constant 0 : i32
      %dma_start3A_174 = tpu.memref_slice %arg6[%dma_start3A_167, %dma_start3A_173] : memref<4x128xi32, #tpu.memory_space<vmem>> -> memref<1x128xi32, #tpu.memory_space<vmem>>
      %dma_start3A_175 = tpu.memref_squeeze %dma_start3A_174 : memref<1x128xi32, #tpu.memory_space<vmem>> -> memref<128xi32, #tpu.memory_space<vmem>>
      %dma_start3A_176 = arith.constant 0 : i32
      %dma_start3A_177 = arith.constant 0 : i32
      %dma_start3A_178 = tpu.memref_slice %arg2[%dma_start3A_176, %dma_start3A_177] : memref<10000x128xf32, #tpu.memory_space<hbm>> -> memref<10000x128xf32, #tpu.memory_space<hbm>>
      tpu.enqueue_indirect_dma source(%dma_start3A_178 : memref<10000x128xf32, #tpu.memory_space<hbm>>) target(%dma_start3A_172 : memref<128x128xf32, #tpu.memory_space<vmem>>) offsets(%dma_start3A_175 : memref<128xi32, #tpu.memory_space<vmem>>) semaphore(%arg11 : memref<!tpu.dma_semaphore, #tpu.memory_space<semaphore_mem>>)
      %add3A_179 = arith.constant 2 : i32
      %add3A_180 = arith.addi %add3A_116, %add3A_179 : i32
      %mul3A_181 = arith.constant 128 : i32
      %mul3A_182 = arith.muli %add3A_180, %mul3A_181 : i32
      %add3A_183 = arith.addi %mul3A_2, %mul3A_182 : i32
      %dma_start3A_184 = arith.constant 2 : i32
      %dma_start3A_185 = arith.constant 0 : i32
      %dma_start3A_186 = tpu.memref_slice %arg6[%dma_start3A_184, %dma_start3A_185] : memref<4x128xi32, #tpu.memory_space<vmem>> -> memref<1x128xi32, #tpu.memory_space<vmem>>
      %dma_start3A_187 = tpu.memref_squeeze %dma_start3A_186 : memref<1x128xi32, #tpu.memory_space<vmem>> -> memref<128xi32, #tpu.memory_space<vmem>>
      %dma_start3A_188 = tpu.memref_slice %arg3[%add3A_183] : memref<327936xi32, #tpu.memory_space<hbm>> -> memref<128xi32, #tpu.memory_space<hbm>>
      %dma_start3A_189 = arith.constant 0 : i32
      %dma_start3A_190 = tpu.memref_slice %arg6[%dma_start3A_184, %dma_start3A_189] : memref<4x128xi32, #tpu.memory_space<vmem>> -> memref<1x128xi32, #tpu.memory_space<vmem>>
      %dma_start3A_191 = tpu.memref_squeeze %dma_start3A_190 : memref<1x128xi32, #tpu.memory_space<vmem>> -> memref<128xi32, #tpu.memory_space<vmem>>
      %dma_start3A_192 = tpu.memref_slice %arg3[%add3A_183] : memref<327936xi32, #tpu.memory_space<hbm>> -> memref<128xi32, #tpu.memory_space<hbm>>
      tpu.enqueue_dma source(%dma_start3A_192 : memref<128xi32, #tpu.memory_space<hbm>>) target(%dma_start3A_191 : memref<128xi32, #tpu.memory_space<vmem>>) target_semaphore(%arg14 : memref<!tpu.dma_semaphore, #tpu.memory_space<semaphore_mem>>)
      %dma_start3A_193 = arith.constant 2 : i32
      %dma_start3A_194 = arith.constant 0 : i32
      %dma_start3A_195 = tpu.memref_slice %arg7[%dma_start3A_193, %dma_start3A_194] : memref<4x128xi32, #tpu.memory_space<vmem>> -> memref<1x128xi32, #tpu.memory_space<vmem>>
      %dma_start3A_196 = tpu.memref_squeeze %dma_start3A_195 : memref<1x128xi32, #tpu.memory_space<vmem>> -> memref<128xi32, #tpu.memory_space<vmem>>
      %dma_start3A_197 = tpu.memref_slice %arg4[%add3A_183] : memref<327936xi32, #tpu.memory_space<hbm>> -> memref<128xi32, #tpu.memory_space<hbm>>
      %dma_start3A_198 = arith.constant 0 : i32
      %dma_start3A_199 = tpu.memref_slice %arg7[%dma_start3A_193, %dma_start3A_198] : memref<4x128xi32, #tpu.memory_space<vmem>> -> memref<1x128xi32, #tpu.memory_space<vmem>>
      %dma_start3A_200 = tpu.memref_squeeze %dma_start3A_199 : memref<1x128xi32, #tpu.memory_space<vmem>> -> memref<128xi32, #tpu.memory_space<vmem>>
      %dma_start3A_201 = tpu.memref_slice %arg4[%add3A_183] : memref<327936xi32, #tpu.memory_space<hbm>> -> memref<128xi32, #tpu.memory_space<hbm>>
      tpu.enqueue_dma source(%dma_start3A_201 : memref<128xi32, #tpu.memory_space<hbm>>) target(%dma_start3A_200 : memref<128xi32, #tpu.memory_space<vmem>>) target_semaphore(%arg14 : memref<!tpu.dma_semaphore, #tpu.memory_space<semaphore_mem>>)
      %mul3A_202 = arith.constant 4 : i32
      %mul3A_203 = arith.muli %scan3A_112, %mul3A_202 : i32
      %add3A_204 = arith.constant 1 : i32
      %add3A_205 = arith.addi %mul3A_203, %add3A_204 : i32
      %dma_wait3A_206 = arith.constant 0 : i32
      %dma_wait3A_207 = arith.constant 1 : i32
      %dma_wait3A_208 = arith.constant 0 : i32
      %dma_wait3A_209 = arith.constant 0 : i32
      %dma_wait3A_210 = tpu.memref_slice %arg8[%dma_wait3A_207, %dma_wait3A_208, %dma_wait3A_209] : memref<2x128x128xf32, #tpu.memory_space<vmem>> -> memref<1x128x128xf32, #tpu.memory_space<vmem>>
      %dma_wait3A_211 = tpu.memref_squeeze %dma_wait3A_210 : memref<1x128x128xf32, #tpu.memory_space<vmem>> -> memref<128x128xf32, #tpu.memory_space<vmem>>
      %dma_wait3A_212 = arith.constant 0 : i32
      %dma_wait3A_213 = tpu.memref_slice %arg6[%dma_wait3A_206, %dma_wait3A_212] : memref<4x128xi32, #tpu.memory_space<vmem>> -> memref<1x128xi32, #tpu.memory_space<vmem>>
      %dma_wait3A_214 = tpu.memref_squeeze %dma_wait3A_213 : memref<1x128xi32, #tpu.memory_space<vmem>> -> memref<128xi32, #tpu.memory_space<vmem>>
      %dma_wait3A_215 = arith.constant 0 : i32
      %dma_wait3A_216 = arith.constant 0 : i32
      %dma_wait3A_217 = tpu.memref_slice %arg2[%dma_wait3A_215, %dma_wait3A_216] : memref<10000x128xf32, #tpu.memory_space<hbm>> -> memref<10000x128xf32, #tpu.memory_space<hbm>>
      tpu.wait_indirect_dma semaphore(%arg11 : memref<!tpu.dma_semaphore, #tpu.memory_space<semaphore_mem>>) src(%dma_wait3A_217 : memref<10000x128xf32, #tpu.memory_space<hbm>>) dst(%dma_wait3A_211 : memref<128x128xf32, #tpu.memory_space<vmem>>)
      %dma_start3A_218 = arith.constant 1 : i32
      %dma_start3A_219 = arith.constant 1 : i32
      %dma_start3A_220 = arith.constant 0 : i32
      %dma_start3A_221 = arith.constant 0 : i32
      %dma_start3A_222 = tpu.memref_slice %arg8[%dma_start3A_218, %dma_start3A_220, %dma_start3A_221] : memref<2x128x128xf32, #tpu.memory_space<vmem>> -> memref<1x128x128xf32, #tpu.memory_space<vmem>>
      %dma_start3A_223 = tpu.memref_squeeze %dma_start3A_222 : memref<1x128x128xf32, #tpu.memory_space<vmem>> -> memref<128x128xf32, #tpu.memory_space<vmem>>
      %dma_start3A_224 = arith.constant 0 : i32
      %dma_start3A_225 = tpu.memref_slice %arg7[%dma_start3A_219, %dma_start3A_224] : memref<4x128xi32, #tpu.memory_space<vmem>> -> memref<1x128xi32, #tpu.memory_space<vmem>>
      %dma_start3A_226 = tpu.memref_squeeze %dma_start3A_225 : memref<1x128xi32, #tpu.memory_space<vmem>> -> memref<128xi32, #tpu.memory_space<vmem>>
      %dma_start3A_227 = arith.constant 0 : i32
      %dma_start3A_228 = arith.constant 0 : i32
      %dma_start3A_229 = tpu.memref_slice %arg9[%dma_start3A_227, %dma_start3A_228] : memref<10112x128xf32, #tpu.memory_space<vmem_shared>> -> memref<10112x128xf32, #tpu.memory_space<vmem_shared>>
      tpu.enqueue_indirect_dma source(%dma_start3A_223 : memref<128x128xf32, #tpu.memory_space<vmem>>) target(%dma_start3A_229 : memref<10112x128xf32, #tpu.memory_space<vmem_shared>>) offsets(%dma_start3A_226 : memref<128xi32, #tpu.memory_space<vmem>>) semaphore(%arg13 : memref<!tpu.dma_semaphore, #tpu.memory_space<semaphore_mem>>) {add = true}
      %dma_wait3A_230 = arith.constant 0 : i32
      %dma_wait3A_231 = arith.constant 0 : i32
      %dma_wait3A_232 = tpu.memref_slice %arg6[%dma_wait3A_230, %dma_wait3A_231] : memref<4x128xi32, #tpu.memory_space<vmem>> -> memref<1x128xi32, #tpu.memory_space<vmem>>
      %dma_wait3A_233 = tpu.memref_squeeze %dma_wait3A_232 : memref<1x128xi32, #tpu.memory_space<vmem>> -> memref<128xi32, #tpu.memory_space<vmem>>
      %dma_wait3A_234 = arith.constant 0 : i32
      %dma_wait3A_235 = tpu.memref_slice %arg3[%dma_wait3A_234] : memref<327936xi32, #tpu.memory_space<hbm>> -> memref<128xi32, #tpu.memory_space<hbm>>
      %dma_wait3A_236 = arith.constant 0 : i32
      %dma_wait3A_237 = tpu.memref_slice %arg6[%dma_wait3A_230, %dma_wait3A_236] : memref<4x128xi32, #tpu.memory_space<vmem>> -> memref<1x128xi32, #tpu.memory_space<vmem>>
      %dma_wait3A_238 = tpu.memref_squeeze %dma_wait3A_237 : memref<1x128xi32, #tpu.memory_space<vmem>> -> memref<128xi32, #tpu.memory_space<vmem>>
      %dma_wait3A_239 = arith.constant 0 : i32
      %dma_wait3A_240 = tpu.memref_slice %arg3[%dma_wait3A_239] : memref<327936xi32, #tpu.memory_space<hbm>> -> memref<128xi32, #tpu.memory_space<hbm>>
      tpu.wait_dma2 semaphore(%arg14 : memref<!tpu.dma_semaphore, #tpu.memory_space<semaphore_mem>>) src(%dma_wait3A_240 : memref<128xi32, #tpu.memory_space<hbm>>) dst(%dma_wait3A_238 : memref<128xi32, #tpu.memory_space<vmem>>)
      %dma_wait3A_241 = arith.constant 0 : i32
      %dma_wait3A_242 = arith.constant 0 : i32
      %dma_wait3A_243 = tpu.memref_slice %arg7[%dma_wait3A_241, %dma_wait3A_242] : memref<4x128xi32, #tpu.memory_space<vmem>> -> memref<1x128xi32, #tpu.memory_space<vmem>>
      %dma_wait3A_244 = tpu.memref_squeeze %dma_wait3A_243 : memref<1x128xi32, #tpu.memory_space<vmem>> -> memref<128xi32, #tpu.memory_space<vmem>>
      %dma_wait3A_245 = arith.constant 0 : i32
      %dma_wait3A_246 = tpu.memref_slice %arg4[%dma_wait3A_245] : memref<327936xi32, #tpu.memory_space<hbm>> -> memref<128xi32, #tpu.memory_space<hbm>>
      %dma_wait3A_247 = arith.constant 0 : i32
      %dma_wait3A_248 = tpu.memref_slice %arg7[%dma_wait3A_241, %dma_wait3A_247] : memref<4x128xi32, #tpu.memory_space<vmem>> -> memref<1x128xi32, #tpu.memory_space<vmem>>
      %dma_wait3A_249 = tpu.memref_squeeze %dma_wait3A_248 : memref<1x128xi32, #tpu.memory_space<vmem>> -> memref<128xi32, #tpu.memory_space<vmem>>
      %dma_wait3A_250 = arith.constant 0 : i32
      %dma_wait3A_251 = tpu.memref_slice %arg4[%dma_wait3A_250] : memref<327936xi32, #tpu.memory_space<hbm>> -> memref<128xi32, #tpu.memory_space<hbm>>
      tpu.wait_dma2 semaphore(%arg14 : memref<!tpu.dma_semaphore, #tpu.memory_space<semaphore_mem>>) src(%dma_wait3A_251 : memref<128xi32, #tpu.memory_space<hbm>>) dst(%dma_wait3A_249 : memref<128xi32, #tpu.memory_space<vmem>>)
      %ge3A_252 = arith.constant 1 : i32
      %ge3A_253 = arith.cmpi sge, %add3A_205, %ge3A_252 : i32
      %convert_element_type3A_254 = arith.extui %ge3A_253 : i1 to i32
      %cond3A_255 = arith.constant 0 : i32
      %cond3A_256 = arith.cmpi ne, %convert_element_type3A_254, %cond3A_255 : i32
      scf.if %cond3A_256 {
        %dma_wait3A_478 = arith.constant 0 : i32
        %dma_wait3A_479 = arith.constant 0 : i32
        %dma_wait3A_480 = arith.constant 0 : i32
        %dma_wait3A_481 = arith.constant 0 : i32
        %dma_wait3A_482 = tpu.memref_slice %arg8[%dma_wait3A_478, %dma_wait3A_480, %dma_wait3A_481] : memref<2x128x128xf32, #tpu.memory_space<vmem>> -> memref<1x128x128xf32, #tpu.memory_space<vmem>>
        %dma_wait3A_483 = tpu.memref_squeeze %dma_wait3A_482 : memref<1x128x128xf32, #tpu.memory_space<vmem>> -> memref<128x128xf32, #tpu.memory_space<vmem>>
        %dma_wait3A_484 = arith.constant 0 : i32
        %dma_wait3A_485 = tpu.memref_slice %arg7[%dma_wait3A_479, %dma_wait3A_484] : memref<4x128xi32, #tpu.memory_space<vmem>> -> memref<1x128xi32, #tpu.memory_space<vmem>>
        %dma_wait3A_486 = tpu.memref_squeeze %dma_wait3A_485 : memref<1x128xi32, #tpu.memory_space<vmem>> -> memref<128xi32, #tpu.memory_space<vmem>>
        %dma_wait3A_487 = arith.constant 0 : i32
        %dma_wait3A_488 = arith.constant 0 : i32
        %dma_wait3A_489 = tpu.memref_slice %arg9[%dma_wait3A_487, %dma_wait3A_488] : memref<10112x128xf32, #tpu.memory_space<vmem_shared>> -> memref<10112x128xf32, #tpu.memory_space<vmem_shared>>
        tpu.wait_indirect_dma semaphore(%arg12 : memref<!tpu.dma_semaphore, #tpu.memory_space<semaphore_mem>>) src(%dma_wait3A_483 : memref<128x128xf32, #tpu.memory_space<vmem>>) dst(%dma_wait3A_489 : memref<10112x128xf32, #tpu.memory_space<vmem_shared>>)
      } else {
      }
      %add3A_257 = arith.constant 1 : i32
      %add3A_258 = arith.addi %add3A_205, %add3A_257 : i32
      %dma_start3A_259 = arith.constant 2 : i32
      %dma_start3A_260 = arith.constant 0 : i32
      %dma_start3A_261 = arith.constant 0 : i32
      %dma_start3A_262 = arith.constant 0 : i32
      %dma_start3A_263 = tpu.memref_slice %arg8[%dma_start3A_260, %dma_start3A_261, %dma_start3A_262] : memref<2x128x128xf32, #tpu.memory_space<vmem>> -> memref<1x128x128xf32, #tpu.memory_space<vmem>>
      %dma_start3A_264 = tpu.memref_squeeze %dma_start3A_263 : memref<1x128x128xf32, #tpu.memory_space<vmem>> -> memref<128x128xf32, #tpu.memory_space<vmem>>
      %dma_start3A_265 = arith.constant 0 : i32
      %dma_start3A_266 = tpu.memref_slice %arg6[%dma_start3A_259, %dma_start3A_265] : memref<4x128xi32, #tpu.memory_space<vmem>> -> memref<1x128xi32, #tpu.memory_space<vmem>>
      %dma_start3A_267 = tpu.memref_squeeze %dma_start3A_266 : memref<1x128xi32, #tpu.memory_space<vmem>> -> memref<128xi32, #tpu.memory_space<vmem>>
      %dma_start3A_268 = arith.constant 0 : i32
      %dma_start3A_269 = arith.constant 0 : i32
      %dma_start3A_270 = tpu.memref_slice %arg2[%dma_start3A_268, %dma_start3A_269] : memref<10000x128xf32, #tpu.memory_space<hbm>> -> memref<10000x128xf32, #tpu.memory_space<hbm>>
      tpu.enqueue_indirect_dma source(%dma_start3A_270 : memref<10000x128xf32, #tpu.memory_space<hbm>>) target(%dma_start3A_264 : memref<128x128xf32, #tpu.memory_space<vmem>>) offsets(%dma_start3A_267 : memref<128xi32, #tpu.memory_space<vmem>>) semaphore(%arg10 : memref<!tpu.dma_semaphore, #tpu.memory_space<semaphore_mem>>)
      %add3A_271 = arith.constant 2 : i32
      %add3A_272 = arith.addi %add3A_205, %add3A_271 : i32
      %mul3A_273 = arith.constant 128 : i32
      %mul3A_274 = arith.muli %add3A_272, %mul3A_273 : i32
      %add3A_275 = arith.addi %mul3A_2, %mul3A_274 : i32
      %dma_start3A_276 = arith.constant 3 : i32
      %dma_start3A_277 = arith.constant 0 : i32
      %dma_start3A_278 = tpu.memref_slice %arg6[%dma_start3A_276, %dma_start3A_277] : memref<4x128xi32, #tpu.memory_space<vmem>> -> memref<1x128xi32, #tpu.memory_space<vmem>>
      %dma_start3A_279 = tpu.memref_squeeze %dma_start3A_278 : memref<1x128xi32, #tpu.memory_space<vmem>> -> memref<128xi32, #tpu.memory_space<vmem>>
      %dma_start3A_280 = tpu.memref_slice %arg3[%add3A_275] : memref<327936xi32, #tpu.memory_space<hbm>> -> memref<128xi32, #tpu.memory_space<hbm>>
      %dma_start3A_281 = arith.constant 0 : i32
      %dma_start3A_282 = tpu.memref_slice %arg6[%dma_start3A_276, %dma_start3A_281] : memref<4x128xi32, #tpu.memory_space<vmem>> -> memref<1x128xi32, #tpu.memory_space<vmem>>
      %dma_start3A_283 = tpu.memref_squeeze %dma_start3A_282 : memref<1x128xi32, #tpu.memory_space<vmem>> -> memref<128xi32, #tpu.memory_space<vmem>>
      %dma_start3A_284 = tpu.memref_slice %arg3[%add3A_275] : memref<327936xi32, #tpu.memory_space<hbm>> -> memref<128xi32, #tpu.memory_space<hbm>>
      tpu.enqueue_dma source(%dma_start3A_284 : memref<128xi32, #tpu.memory_space<hbm>>) target(%dma_start3A_283 : memref<128xi32, #tpu.memory_space<vmem>>) target_semaphore(%arg14 : memref<!tpu.dma_semaphore, #tpu.memory_space<semaphore_mem>>)
      %dma_start3A_285 = arith.constant 3 : i32
      %dma_start3A_286 = arith.constant 0 : i32
      %dma_start3A_287 = tpu.memref_slice %arg7[%dma_start3A_285, %dma_start3A_286] : memref<4x128xi32, #tpu.memory_space<vmem>> -> memref<1x128xi32, #tpu.memory_space<vmem>>
      %dma_start3A_288 = tpu.memref_squeeze %dma_start3A_287 : memref<1x128xi32, #tpu.memory_space<vmem>> -> memref<128xi32, #tpu.memory_space<vmem>>
      %dma_start3A_289 = tpu.memref_slice %arg4[%add3A_275] : memref<327936xi32, #tpu.memory_space<hbm>> -> memref<128xi32, #tpu.memory_space<hbm>>
      %dma_start3A_290 = arith.constant 0 : i32
      %dma_start3A_291 = tpu.memref_slice %arg7[%dma_start3A_285, %dma_start3A_290] : memref<4x128xi32, #tpu.memory_space<vmem>> -> memref<1x128xi32, #tpu.memory_space<vmem>>
      %dma_start3A_292 = tpu.memref_squeeze %dma_start3A_291 : memref<1x128xi32, #tpu.memory_space<vmem>> -> memref<128xi32, #tpu.memory_space<vmem>>
      %dma_start3A_293 = tpu.memref_slice %arg4[%add3A_275] : memref<327936xi32, #tpu.memory_space<hbm>> -> memref<128xi32, #tpu.memory_space<hbm>>
      tpu.enqueue_dma source(%dma_start3A_293 : memref<128xi32, #tpu.memory_space<hbm>>) target(%dma_start3A_292 : memref<128xi32, #tpu.memory_space<vmem>>) target_semaphore(%arg14 : memref<!tpu.dma_semaphore, #tpu.memory_space<semaphore_mem>>)
      %mul3A_294 = arith.constant 4 : i32
      %mul3A_295 = arith.muli %scan3A_112, %mul3A_294 : i32
      %add3A_296 = arith.constant 2 : i32
      %add3A_297 = arith.addi %mul3A_295, %add3A_296 : i32
      %dma_wait3A_298 = arith.constant 0 : i32
      %dma_wait3A_299 = arith.constant 0 : i32
      %dma_wait3A_300 = arith.constant 0 : i32
      %dma_wait3A_301 = arith.constant 0 : i32
      %dma_wait3A_302 = tpu.memref_slice %arg8[%dma_wait3A_299, %dma_wait3A_300, %dma_wait3A_301] : memref<2x128x128xf32, #tpu.memory_space<vmem>> -> memref<1x128x128xf32, #tpu.memory_space<vmem>>
      %dma_wait3A_303 = tpu.memref_squeeze %dma_wait3A_302 : memref<1x128x128xf32, #tpu.memory_space<vmem>> -> memref<128x128xf32, #tpu.memory_space<vmem>>
      %dma_wait3A_304 = arith.constant 0 : i32
      %dma_wait3A_305 = tpu.memref_slice %arg6[%dma_wait3A_298, %dma_wait3A_304] : memref<4x128xi32, #tpu.memory_space<vmem>> -> memref<1x128xi32, #tpu.memory_space<vmem>>
      %dma_wait3A_306 = tpu.memref_squeeze %dma_wait3A_305 : memref<1x128xi32, #tpu.memory_space<vmem>> -> memref<128xi32, #tpu.memory_space<vmem>>
      %dma_wait3A_307 = arith.constant 0 : i32
      %dma_wait3A_308 = arith.constant 0 : i32
      %dma_wait3A_309 = tpu.memref_slice %arg2[%dma_wait3A_307, %dma_wait3A_308] : memref<10000x128xf32, #tpu.memory_space<hbm>> -> memref<10000x128xf32, #tpu.memory_space<hbm>>
      tpu.wait_indirect_dma semaphore(%arg10 : memref<!tpu.dma_semaphore, #tpu.memory_space<semaphore_mem>>) src(%dma_wait3A_309 : memref<10000x128xf32, #tpu.memory_space<hbm>>) dst(%dma_wait3A_303 : memref<128x128xf32, #tpu.memory_space<vmem>>)
      %dma_start3A_310 = arith.constant 0 : i32
      %dma_start3A_311 = arith.constant 2 : i32
      %dma_start3A_312 = arith.constant 0 : i32
      %dma_start3A_313 = arith.constant 0 : i32
      %dma_start3A_314 = tpu.memref_slice %arg8[%dma_start3A_310, %dma_start3A_312, %dma_start3A_313] : memref<2x128x128xf32, #tpu.memory_space<vmem>> -> memref<1x128x128xf32, #tpu.memory_space<vmem>>
      %dma_start3A_315 = tpu.memref_squeeze %dma_start3A_314 : memref<1x128x128xf32, #tpu.memory_space<vmem>> -> memref<128x128xf32, #tpu.memory_space<vmem>>
      %dma_start3A_316 = arith.constant 0 : i32
      %dma_start3A_317 = tpu.memref_slice %arg7[%dma_start3A_311, %dma_start3A_316] : memref<4x128xi32, #tpu.memory_space<vmem>> -> memref<1x128xi32, #tpu.memory_space<vmem>>
      %dma_start3A_318 = tpu.memref_squeeze %dma_start3A_317 : memref<1x128xi32, #tpu.memory_space<vmem>> -> memref<128xi32, #tpu.memory_space<vmem>>
      %dma_start3A_319 = arith.constant 0 : i32
      %dma_start3A_320 = arith.constant 0 : i32
      %dma_start3A_321 = tpu.memref_slice %arg9[%dma_start3A_319, %dma_start3A_320] : memref<10112x128xf32, #tpu.memory_space<vmem_shared>> -> memref<10112x128xf32, #tpu.memory_space<vmem_shared>>
      tpu.enqueue_indirect_dma source(%dma_start3A_315 : memref<128x128xf32, #tpu.memory_space<vmem>>) target(%dma_start3A_321 : memref<10112x128xf32, #tpu.memory_space<vmem_shared>>) offsets(%dma_start3A_318 : memref<128xi32, #tpu.memory_space<vmem>>) semaphore(%arg12 : memref<!tpu.dma_semaphore, #tpu.memory_space<semaphore_mem>>) {add = true}
      %dma_wait3A_322 = arith.constant 0 : i32
      %dma_wait3A_323 = arith.constant 0 : i32
      %dma_wait3A_324 = tpu.memref_slice %arg6[%dma_wait3A_322, %dma_wait3A_323] : memref<4x128xi32, #tpu.memory_space<vmem>> -> memref<1x128xi32, #tpu.memory_space<vmem>>
      %dma_wait3A_325 = tpu.memref_squeeze %dma_wait3A_324 : memref<1x128xi32, #tpu.memory_space<vmem>> -> memref<128xi32, #tpu.memory_space<vmem>>
      %dma_wait3A_326 = arith.constant 0 : i32
      %dma_wait3A_327 = tpu.memref_slice %arg3[%dma_wait3A_326] : memref<327936xi32, #tpu.memory_space<hbm>> -> memref<128xi32, #tpu.memory_space<hbm>>
      %dma_wait3A_328 = arith.constant 0 : i32
      %dma_wait3A_329 = tpu.memref_slice %arg6[%dma_wait3A_322, %dma_wait3A_328] : memref<4x128xi32, #tpu.memory_space<vmem>> -> memref<1x128xi32, #tpu.memory_space<vmem>>
      %dma_wait3A_330 = tpu.memref_squeeze %dma_wait3A_329 : memref<1x128xi32, #tpu.memory_space<vmem>> -> memref<128xi32, #tpu.memory_space<vmem>>
      %dma_wait3A_331 = arith.constant 0 : i32
      %dma_wait3A_332 = tpu.memref_slice %arg3[%dma_wait3A_331] : memref<327936xi32, #tpu.memory_space<hbm>> -> memref<128xi32, #tpu.memory_space<hbm>>
      tpu.wait_dma2 semaphore(%arg14 : memref<!tpu.dma_semaphore, #tpu.memory_space<semaphore_mem>>) src(%dma_wait3A_332 : memref<128xi32, #tpu.memory_space<hbm>>) dst(%dma_wait3A_330 : memref<128xi32, #tpu.memory_space<vmem>>)
      %dma_wait3A_333 = arith.constant 0 : i32
      %dma_wait3A_334 = arith.constant 0 : i32
      %dma_wait3A_335 = tpu.memref_slice %arg7[%dma_wait3A_333, %dma_wait3A_334] : memref<4x128xi32, #tpu.memory_space<vmem>> -> memref<1x128xi32, #tpu.memory_space<vmem>>
      %dma_wait3A_336 = tpu.memref_squeeze %dma_wait3A_335 : memref<1x128xi32, #tpu.memory_space<vmem>> -> memref<128xi32, #tpu.memory_space<vmem>>
      %dma_wait3A_337 = arith.constant 0 : i32
      %dma_wait3A_338 = tpu.memref_slice %arg4[%dma_wait3A_337] : memref<327936xi32, #tpu.memory_space<hbm>> -> memref<128xi32, #tpu.memory_space<hbm>>
      %dma_wait3A_339 = arith.constant 0 : i32
      %dma_wait3A_340 = tpu.memref_slice %arg7[%dma_wait3A_333, %dma_wait3A_339] : memref<4x128xi32, #tpu.memory_space<vmem>> -> memref<1x128xi32, #tpu.memory_space<vmem>>
      %dma_wait3A_341 = tpu.memref_squeeze %dma_wait3A_340 : memref<1x128xi32, #tpu.memory_space<vmem>> -> memref<128xi32, #tpu.memory_space<vmem>>
      %dma_wait3A_342 = arith.constant 0 : i32
      %dma_wait3A_343 = tpu.memref_slice %arg4[%dma_wait3A_342] : memref<327936xi32, #tpu.memory_space<hbm>> -> memref<128xi32, #tpu.memory_space<hbm>>
      tpu.wait_dma2 semaphore(%arg14 : memref<!tpu.dma_semaphore, #tpu.memory_space<semaphore_mem>>) src(%dma_wait3A_343 : memref<128xi32, #tpu.memory_space<hbm>>) dst(%dma_wait3A_341 : memref<128xi32, #tpu.memory_space<vmem>>)
      %ge3A_344 = arith.constant 1 : i32
      %ge3A_345 = arith.cmpi sge, %add3A_297, %ge3A_344 : i32
      %convert_element_type3A_346 = arith.extui %ge3A_345 : i1 to i32
      %cond3A_347 = arith.constant 0 : i32
      %cond3A_348 = arith.cmpi ne, %convert_element_type3A_346, %cond3A_347 : i32
      scf.if %cond3A_348 {
        %dma_wait3A_478 = arith.constant 1 : i32
        %dma_wait3A_479 = arith.constant 0 : i32
        %dma_wait3A_480 = arith.constant 0 : i32
        %dma_wait3A_481 = arith.constant 0 : i32
        %dma_wait3A_482 = tpu.memref_slice %arg8[%dma_wait3A_478, %dma_wait3A_480, %dma_wait3A_481] : memref<2x128x128xf32, #tpu.memory_space<vmem>> -> memref<1x128x128xf32, #tpu.memory_space<vmem>>
        %dma_wait3A_483 = tpu.memref_squeeze %dma_wait3A_482 : memref<1x128x128xf32, #tpu.memory_space<vmem>> -> memref<128x128xf32, #tpu.memory_space<vmem>>
        %dma_wait3A_484 = arith.constant 0 : i32
        %dma_wait3A_485 = tpu.memref_slice %arg7[%dma_wait3A_479, %dma_wait3A_484] : memref<4x128xi32, #tpu.memory_space<vmem>> -> memref<1x128xi32, #tpu.memory_space<vmem>>
        %dma_wait3A_486 = tpu.memref_squeeze %dma_wait3A_485 : memref<1x128xi32, #tpu.memory_space<vmem>> -> memref<128xi32, #tpu.memory_space<vmem>>
        %dma_wait3A_487 = arith.constant 0 : i32
        %dma_wait3A_488 = arith.constant 0 : i32
        %dma_wait3A_489 = tpu.memref_slice %arg9[%dma_wait3A_487, %dma_wait3A_488] : memref<10112x128xf32, #tpu.memory_space<vmem_shared>> -> memref<10112x128xf32, #tpu.memory_space<vmem_shared>>
        tpu.wait_indirect_dma semaphore(%arg13 : memref<!tpu.dma_semaphore, #tpu.memory_space<semaphore_mem>>) src(%dma_wait3A_483 : memref<128x128xf32, #tpu.memory_space<vmem>>) dst(%dma_wait3A_489 : memref<10112x128xf32, #tpu.memory_space<vmem_shared>>)
      } else {
      }
      %add3A_349 = arith.constant 1 : i32
      %add3A_350 = arith.addi %add3A_297, %add3A_349 : i32
      %dma_start3A_351 = arith.constant 3 : i32
      %dma_start3A_352 = arith.constant 1 : i32
      %dma_start3A_353 = arith.constant 0 : i32
      %dma_start3A_354 = arith.constant 0 : i32
      %dma_start3A_355 = tpu.memref_slice %arg8[%dma_start3A_352, %dma_start3A_353, %dma_start3A_354] : memref<2x128x128xf32, #tpu.memory_space<vmem>> -> memref<1x128x128xf32, #tpu.memory_space<vmem>>
      %dma_start3A_356 = tpu.memref_squeeze %dma_start3A_355 : memref<1x128x128xf32, #tpu.memory_space<vmem>> -> memref<128x128xf32, #tpu.memory_space<vmem>>
      %dma_start3A_357 = arith.constant 0 : i32
      %dma_start3A_358 = tpu.memref_slice %arg6[%dma_start3A_351, %dma_start3A_357] : memref<4x128xi32, #tpu.memory_space<vmem>> -> memref<1x128xi32, #tpu.memory_space<vmem>>
      %dma_start3A_359 = tpu.memref_squeeze %dma_start3A_358 : memref<1x128xi32, #tpu.memory_space<vmem>> -> memref<128xi32, #tpu.memory_space<vmem>>
      %dma_start3A_360 = arith.constant 0 : i32
      %dma_start3A_361 = arith.constant 0 : i32
      %dma_start3A_362 = tpu.memref_slice %arg2[%dma_start3A_360, %dma_start3A_361] : memref<10000x128xf32, #tpu.memory_space<hbm>> -> memref<10000x128xf32, #tpu.memory_space<hbm>>
      tpu.enqueue_indirect_dma source(%dma_start3A_362 : memref<10000x128xf32, #tpu.memory_space<hbm>>) target(%dma_start3A_356 : memref<128x128xf32, #tpu.memory_space<vmem>>) offsets(%dma_start3A_359 : memref<128xi32, #tpu.memory_space<vmem>>) semaphore(%arg11 : memref<!tpu.dma_semaphore, #tpu.memory_space<semaphore_mem>>)
      %add3A_363 = arith.constant 2 : i32
      %add3A_364 = arith.addi %add3A_297, %add3A_363 : i32
      %mul3A_365 = arith.constant 128 : i32
      %mul3A_366 = arith.muli %add3A_364, %mul3A_365 : i32
      %add3A_367 = arith.addi %mul3A_2, %mul3A_366 : i32
      %dma_start3A_368 = arith.constant 0 : i32
      %dma_start3A_369 = arith.constant 0 : i32
      %dma_start3A_370 = tpu.memref_slice %arg6[%dma_start3A_368, %dma_start3A_369] : memref<4x128xi32, #tpu.memory_space<vmem>> -> memref<1x128xi32, #tpu.memory_space<vmem>>
      %dma_start3A_371 = tpu.memref_squeeze %dma_start3A_370 : memref<1x128xi32, #tpu.memory_space<vmem>> -> memref<128xi32, #tpu.memory_space<vmem>>
      %dma_start3A_372 = tpu.memref_slice %arg3[%add3A_367] : memref<327936xi32, #tpu.memory_space<hbm>> -> memref<128xi32, #tpu.memory_space<hbm>>
      %dma_start3A_373 = arith.constant 0 : i32
      %dma_start3A_374 = tpu.memref_slice %arg6[%dma_start3A_368, %dma_start3A_373] : memref<4x128xi32, #tpu.memory_space<vmem>> -> memref<1x128xi32, #tpu.memory_space<vmem>>
      %dma_start3A_375 = tpu.memref_squeeze %dma_start3A_374 : memref<1x128xi32, #tpu.memory_space<vmem>> -> memref<128xi32, #tpu.memory_space<vmem>>
      %dma_start3A_376 = tpu.memref_slice %arg3[%add3A_367] : memref<327936xi32, #tpu.memory_space<hbm>> -> memref<128xi32, #tpu.memory_space<hbm>>
      tpu.enqueue_dma source(%dma_start3A_376 : memref<128xi32, #tpu.memory_space<hbm>>) target(%dma_start3A_375 : memref<128xi32, #tpu.memory_space<vmem>>) target_semaphore(%arg14 : memref<!tpu.dma_semaphore, #tpu.memory_space<semaphore_mem>>)
      %dma_start3A_377 = arith.constant 0 : i32
      %dma_start3A_378 = arith.constant 0 : i32
      %dma_start3A_379 = tpu.memref_slice %arg7[%dma_start3A_377, %dma_start3A_378] : memref<4x128xi32, #tpu.memory_space<vmem>> -> memref<1x128xi32, #tpu.memory_space<vmem>>
      %dma_start3A_380 = tpu.memref_squeeze %dma_start3A_379 : memref<1x128xi32, #tpu.memory_space<vmem>> -> memref<128xi32, #tpu.memory_space<vmem>>
      %dma_start3A_381 = tpu.memref_slice %arg4[%add3A_367] : memref<327936xi32, #tpu.memory_space<hbm>> -> memref<128xi32, #tpu.memory_space<hbm>>
      %dma_start3A_382 = arith.constant 0 : i32
      %dma_start3A_383 = tpu.memref_slice %arg7[%dma_start3A_377, %dma_start3A_382] : memref<4x128xi32, #tpu.memory_space<vmem>> -> memref<1x128xi32, #tpu.memory_space<vmem>>
      %dma_start3A_384 = tpu.memref_squeeze %dma_start3A_383 : memref<1x128xi32, #tpu.memory_space<vmem>> -> memref<128xi32, #tpu.memory_space<vmem>>
      %dma_start3A_385 = tpu.memref_slice %arg4[%add3A_367] : memref<327936xi32, #tpu.memory_space<hbm>> -> memref<128xi32, #tpu.memory_space<hbm>>
      tpu.enqueue_dma source(%dma_start3A_385 : memref<128xi32, #tpu.memory_space<hbm>>) target(%dma_start3A_384 : memref<128xi32, #tpu.memory_space<vmem>>) target_semaphore(%arg14 : memref<!tpu.dma_semaphore, #tpu.memory_space<semaphore_mem>>)
      %mul3A_386 = arith.constant 4 : i32
      %mul3A_387 = arith.muli %scan3A_112, %mul3A_386 : i32
      %add3A_388 = arith.constant 3 : i32
      %add3A_389 = arith.addi %mul3A_387, %add3A_388 : i32
      %dma_wait3A_390 = arith.constant 0 : i32
      %dma_wait3A_391 = arith.constant 1 : i32
      %dma_wait3A_392 = arith.constant 0 : i32
      %dma_wait3A_393 = arith.constant 0 : i32
      %dma_wait3A_394 = tpu.memref_slice %arg8[%dma_wait3A_391, %dma_wait3A_392, %dma_wait3A_393] : memref<2x128x128xf32, #tpu.memory_space<vmem>> -> memref<1x128x128xf32, #tpu.memory_space<vmem>>
      %dma_wait3A_395 = tpu.memref_squeeze %dma_wait3A_394 : memref<1x128x128xf32, #tpu.memory_space<vmem>> -> memref<128x128xf32, #tpu.memory_space<vmem>>
      %dma_wait3A_396 = arith.constant 0 : i32
      %dma_wait3A_397 = tpu.memref_slice %arg6[%dma_wait3A_390, %dma_wait3A_396] : memref<4x128xi32, #tpu.memory_space<vmem>> -> memref<1x128xi32, #tpu.memory_space<vmem>>
      %dma_wait3A_398 = tpu.memref_squeeze %dma_wait3A_397 : memref<1x128xi32, #tpu.memory_space<vmem>> -> memref<128xi32, #tpu.memory_space<vmem>>
      %dma_wait3A_399 = arith.constant 0 : i32
      %dma_wait3A_400 = arith.constant 0 : i32
      %dma_wait3A_401 = tpu.memref_slice %arg2[%dma_wait3A_399, %dma_wait3A_400] : memref<10000x128xf32, #tpu.memory_space<hbm>> -> memref<10000x128xf32, #tpu.memory_space<hbm>>
      tpu.wait_indirect_dma semaphore(%arg11 : memref<!tpu.dma_semaphore, #tpu.memory_space<semaphore_mem>>) src(%dma_wait3A_401 : memref<10000x128xf32, #tpu.memory_space<hbm>>) dst(%dma_wait3A_395 : memref<128x128xf32, #tpu.memory_space<vmem>>)
      %dma_start3A_402 = arith.constant 1 : i32
      %dma_start3A_403 = arith.constant 3 : i32
      %dma_start3A_404 = arith.constant 0 : i32
      %dma_start3A_405 = arith.constant 0 : i32
      %dma_start3A_406 = tpu.memref_slice %arg8[%dma_start3A_402, %dma_start3A_404, %dma_start3A_405] : memref<2x128x128xf32, #tpu.memory_space<vmem>> -> memref<1x128x128xf32, #tpu.memory_space<vmem>>
      %dma_start3A_407 = tpu.memref_squeeze %dma_start3A_406 : memref<1x128x128xf32, #tpu.memory_space<vmem>> -> memref<128x128xf32, #tpu.memory_space<vmem>>
      %dma_start3A_408 = arith.constant 0 : i32
      %dma_start3A_409 = tpu.memref_slice %arg7[%dma_start3A_403, %dma_start3A_408] : memref<4x128xi32, #tpu.memory_space<vmem>> -> memref<1x128xi32, #tpu.memory_space<vmem>>
      %dma_start3A_410 = tpu.memref_squeeze %dma_start3A_409 : memref<1x128xi32, #tpu.memory_space<vmem>> -> memref<128xi32, #tpu.memory_space<vmem>>
      %dma_start3A_411 = arith.constant 0 : i32
      %dma_start3A_412 = arith.constant 0 : i32
      %dma_start3A_413 = tpu.memref_slice %arg9[%dma_start3A_411, %dma_start3A_412] : memref<10112x128xf32, #tpu.memory_space<vmem_shared>> -> memref<10112x128xf32, #tpu.memory_space<vmem_shared>>
      tpu.enqueue_indirect_dma source(%dma_start3A_407 : memref<128x128xf32, #tpu.memory_space<vmem>>) target(%dma_start3A_413 : memref<10112x128xf32, #tpu.memory_space<vmem_shared>>) offsets(%dma_start3A_410 : memref<128xi32, #tpu.memory_space<vmem>>) semaphore(%arg13 : memref<!tpu.dma_semaphore, #tpu.memory_space<semaphore_mem>>) {add = true}
      %dma_wait3A_414 = arith.constant 0 : i32
      %dma_wait3A_415 = arith.constant 0 : i32
      %dma_wait3A_416 = tpu.memref_slice %arg6[%dma_wait3A_414, %dma_wait3A_415] : memref<4x128xi32, #tpu.memory_space<vmem>> -> memref<1x128xi32, #tpu.memory_space<vmem>>
      %dma_wait3A_417 = tpu.memref_squeeze %dma_wait3A_416 : memref<1x128xi32, #tpu.memory_space<vmem>> -> memref<128xi32, #tpu.memory_space<vmem>>
      %dma_wait3A_418 = arith.constant 0 : i32
      %dma_wait3A_419 = tpu.memref_slice %arg3[%dma_wait3A_418] : memref<327936xi32, #tpu.memory_space<hbm>> -> memref<128xi32, #tpu.memory_space<hbm>>
      %dma_wait3A_420 = arith.constant 0 : i32
      %dma_wait3A_421 = tpu.memref_slice %arg6[%dma_wait3A_414, %dma_wait3A_420] : memref<4x128xi32, #tpu.memory_space<vmem>> -> memref<1x128xi32, #tpu.memory_space<vmem>>
      %dma_wait3A_422 = tpu.memref_squeeze %dma_wait3A_421 : memref<1x128xi32, #tpu.memory_space<vmem>> -> memref<128xi32, #tpu.memory_space<vmem>>
      %dma_wait3A_423 = arith.constant 0 : i32
      %dma_wait3A_424 = tpu.memref_slice %arg3[%dma_wait3A_423] : memref<327936xi32, #tpu.memory_space<hbm>> -> memref<128xi32, #tpu.memory_space<hbm>>
      tpu.wait_dma2 semaphore(%arg14 : memref<!tpu.dma_semaphore, #tpu.memory_space<semaphore_mem>>) src(%dma_wait3A_424 : memref<128xi32, #tpu.memory_space<hbm>>) dst(%dma_wait3A_422 : memref<128xi32, #tpu.memory_space<vmem>>)
      %dma_wait3A_425 = arith.constant 0 : i32
      %dma_wait3A_426 = arith.constant 0 : i32
      %dma_wait3A_427 = tpu.memref_slice %arg7[%dma_wait3A_425, %dma_wait3A_426] : memref<4x128xi32, #tpu.memory_space<vmem>> -> memref<1x128xi32, #tpu.memory_space<vmem>>
      %dma_wait3A_428 = tpu.memref_squeeze %dma_wait3A_427 : memref<1x128xi32, #tpu.memory_space<vmem>> -> memref<128xi32, #tpu.memory_space<vmem>>
      %dma_wait3A_429 = arith.constant 0 : i32
      %dma_wait3A_430 = tpu.memref_slice %arg4[%dma_wait3A_429] : memref<327936xi32, #tpu.memory_space<hbm>> -> memref<128xi32, #tpu.memory_space<hbm>>
      %dma_wait3A_431 = arith.constant 0 : i32
      %dma_wait3A_432 = tpu.memref_slice %arg7[%dma_wait3A_425, %dma_wait3A_431] : memref<4x128xi32, #tpu.memory_space<vmem>> -> memref<1x128xi32, #tpu.memory_space<vmem>>
      %dma_wait3A_433 = tpu.memref_squeeze %dma_wait3A_432 : memref<1x128xi32, #tpu.memory_space<vmem>> -> memref<128xi32, #tpu.memory_space<vmem>>
      %dma_wait3A_434 = arith.constant 0 : i32
      %dma_wait3A_435 = tpu.memref_slice %arg4[%dma_wait3A_434] : memref<327936xi32, #tpu.memory_space<hbm>> -> memref<128xi32, #tpu.memory_space<hbm>>
      tpu.wait_dma2 semaphore(%arg14 : memref<!tpu.dma_semaphore, #tpu.memory_space<semaphore_mem>>) src(%dma_wait3A_435 : memref<128xi32, #tpu.memory_space<hbm>>) dst(%dma_wait3A_433 : memref<128xi32, #tpu.memory_space<vmem>>)
      %ge3A_436 = arith.constant 1 : i32
      %ge3A_437 = arith.cmpi sge, %add3A_389, %ge3A_436 : i32
      %convert_element_type3A_438 = arith.extui %ge3A_437 : i1 to i32
      %cond3A_439 = arith.constant 0 : i32
      %cond3A_440 = arith.cmpi ne, %convert_element_type3A_438, %cond3A_439 : i32
      scf.if %cond3A_440 {
        %dma_wait3A_478 = arith.constant 0 : i32
        %dma_wait3A_479 = arith.constant 0 : i32
        %dma_wait3A_480 = arith.constant 0 : i32
        %dma_wait3A_481 = arith.constant 0 : i32
        %dma_wait3A_482 = tpu.memref_slice %arg8[%dma_wait3A_478, %dma_wait3A_480, %dma_wait3A_481] : memref<2x128x128xf32, #tpu.memory_space<vmem>> -> memref<1x128x128xf32, #tpu.memory_space<vmem>>
        %dma_wait3A_483 = tpu.memref_squeeze %dma_wait3A_482 : memref<1x128x128xf32, #tpu.memory_space<vmem>> -> memref<128x128xf32, #tpu.memory_space<vmem>>
        %dma_wait3A_484 = arith.constant 0 : i32
        %dma_wait3A_485 = tpu.memref_slice %arg7[%dma_wait3A_479, %dma_wait3A_484] : memref<4x128xi32, #tpu.memory_space<vmem>> -> memref<1x128xi32, #tpu.memory_space<vmem>>
        %dma_wait3A_486 = tpu.memref_squeeze %dma_wait3A_485 : memref<1x128xi32, #tpu.memory_space<vmem>> -> memref<128xi32, #tpu.memory_space<vmem>>
        %dma_wait3A_487 = arith.constant 0 : i32
        %dma_wait3A_488 = arith.constant 0 : i32
        %dma_wait3A_489 = tpu.memref_slice %arg9[%dma_wait3A_487, %dma_wait3A_488] : memref<10112x128xf32, #tpu.memory_space<vmem_shared>> -> memref<10112x128xf32, #tpu.memory_space<vmem_shared>>
        tpu.wait_indirect_dma semaphore(%arg12 : memref<!tpu.dma_semaphore, #tpu.memory_space<semaphore_mem>>) src(%dma_wait3A_483 : memref<128x128xf32, #tpu.memory_space<vmem>>) dst(%dma_wait3A_489 : memref<10112x128xf32, #tpu.memory_space<vmem_shared>>)
      } else {
      }
      %add3A_441 = arith.constant 1 : i32
      %add3A_442 = arith.addi %add3A_389, %add3A_441 : i32
      %dma_start3A_443 = arith.constant 0 : i32
      %dma_start3A_444 = arith.constant 0 : i32
      %dma_start3A_445 = arith.constant 0 : i32
      %dma_start3A_446 = arith.constant 0 : i32
      %dma_start3A_447 = tpu.memref_slice %arg8[%dma_start3A_444, %dma_start3A_445, %dma_start3A_446] : memref<2x128x128xf32, #tpu.memory_space<vmem>> -> memref<1x128x128xf32, #tpu.memory_space<vmem>>
      %dma_start3A_448 = tpu.memref_squeeze %dma_start3A_447 : memref<1x128x128xf32, #tpu.memory_space<vmem>> -> memref<128x128xf32, #tpu.memory_space<vmem>>
      %dma_start3A_449 = arith.constant 0 : i32
      %dma_start3A_450 = tpu.memref_slice %arg6[%dma_start3A_443, %dma_start3A_449] : memref<4x128xi32, #tpu.memory_space<vmem>> -> memref<1x128xi32, #tpu.memory_space<vmem>>
      %dma_start3A_451 = tpu.memref_squeeze %dma_start3A_450 : memref<1x128xi32, #tpu.memory_space<vmem>> -> memref<128xi32, #tpu.memory_space<vmem>>
      %dma_start3A_452 = arith.constant 0 : i32
      %dma_start3A_453 = arith.constant 0 : i32
      %dma_start3A_454 = tpu.memref_slice %arg2[%dma_start3A_452, %dma_start3A_453] : memref<10000x128xf32, #tpu.memory_space<hbm>> -> memref<10000x128xf32, #tpu.memory_space<hbm>>
      tpu.enqueue_indirect_dma source(%dma_start3A_454 : memref<10000x128xf32, #tpu.memory_space<hbm>>) target(%dma_start3A_448 : memref<128x128xf32, #tpu.memory_space<vmem>>) offsets(%dma_start3A_451 : memref<128xi32, #tpu.memory_space<vmem>>) semaphore(%arg10 : memref<!tpu.dma_semaphore, #tpu.memory_space<semaphore_mem>>)
      %add3A_455 = arith.constant 2 : i32
      %add3A_456 = arith.addi %add3A_389, %add3A_455 : i32
      %mul3A_457 = arith.constant 128 : i32
      %mul3A_458 = arith.muli %add3A_456, %mul3A_457 : i32
      %add3A_459 = arith.addi %mul3A_2, %mul3A_458 : i32
      %dma_start3A_460 = arith.constant 1 : i32
      %dma_start3A_461 = arith.constant 0 : i32
      %dma_start3A_462 = tpu.memref_slice %arg6[%dma_start3A_460, %dma_start3A_461] : memref<4x128xi32, #tpu.memory_space<vmem>> -> memref<1x128xi32, #tpu.memory_space<vmem>>
      %dma_start3A_463 = tpu.memref_squeeze %dma_start3A_462 : memref<1x128xi32, #tpu.memory_space<vmem>> -> memref<128xi32, #tpu.memory_space<vmem>>
      %dma_start3A_464 = tpu.memref_slice %arg3[%add3A_459] : memref<327936xi32, #tpu.memory_space<hbm>> -> memref<128xi32, #tpu.memory_space<hbm>>
      %dma_start3A_465 = arith.constant 0 : i32
      %dma_start3A_466 = tpu.memref_slice %arg6[%dma_start3A_460, %dma_start3A_465] : memref<4x128xi32, #tpu.memory_space<vmem>> -> memref<1x128xi32, #tpu.memory_space<vmem>>
      %dma_start3A_467 = tpu.memref_squeeze %dma_start3A_466 : memref<1x128xi32, #tpu.memory_space<vmem>> -> memref<128xi32, #tpu.memory_space<vmem>>
      %dma_start3A_468 = tpu.memref_slice %arg3[%add3A_459] : memref<327936xi32, #tpu.memory_space<hbm>> -> memref<128xi32, #tpu.memory_space<hbm>>
      tpu.enqueue_dma source(%dma_start3A_468 : memref<128xi32, #tpu.memory_space<hbm>>) target(%dma_start3A_467 : memref<128xi32, #tpu.memory_space<vmem>>) target_semaphore(%arg14 : memref<!tpu.dma_semaphore, #tpu.memory_space<semaphore_mem>>)
      %dma_start3A_469 = arith.constant 1 : i32
      %dma_start3A_470 = arith.constant 0 : i32
      %dma_start3A_471 = tpu.memref_slice %arg7[%dma_start3A_469, %dma_start3A_470] : memref<4x128xi32, #tpu.memory_space<vmem>> -> memref<1x128xi32, #tpu.memory_space<vmem>>
      %dma_start3A_472 = tpu.memref_squeeze %dma_start3A_471 : memref<1x128xi32, #tpu.memory_space<vmem>> -> memref<128xi32, #tpu.memory_space<vmem>>
      %dma_start3A_473 = tpu.memref_slice %arg4[%add3A_459] : memref<327936xi32, #tpu.memory_space<hbm>> -> memref<128xi32, #tpu.memory_space<hbm>>
      %dma_start3A_474 = arith.constant 0 : i32
      %dma_start3A_475 = tpu.memref_slice %arg7[%dma_start3A_469, %dma_start3A_474] : memref<4x128xi32, #tpu.memory_space<vmem>> -> memref<1x128xi32, #tpu.memory_space<vmem>>
      %dma_start3A_476 = tpu.memref_squeeze %dma_start3A_475 : memref<1x128xi32, #tpu.memory_space<vmem>> -> memref<128xi32, #tpu.memory_space<vmem>>
      %dma_start3A_477 = tpu.memref_slice %arg4[%add3A_459] : memref<327936xi32, #tpu.memory_space<hbm>> -> memref<128xi32, #tpu.memory_space<hbm>>
      tpu.enqueue_dma source(%dma_start3A_477 : memref<128xi32, #tpu.memory_space<hbm>>) target(%dma_start3A_476 : memref<128xi32, #tpu.memory_space<vmem>>) target_semaphore(%arg14 : memref<!tpu.dma_semaphore, #tpu.memory_space<semaphore_mem>>)
    }
    %scan3A_63 = arith.constant 20 : i32
    %dma_wait3A = arith.constant 0 : i32
    %dma_wait3A_64 = arith.constant 0 : i32
    %dma_wait3A_65 = arith.constant 0 : i32
    %dma_wait3A_66 = arith.constant 0 : i32
    %dma_wait3A_67 = tpu.memref_slice %arg8[%dma_wait3A_64, %dma_wait3A_65, %dma_wait3A_66] : memref<2x128x128xf32, #tpu.memory_space<vmem>> -> memref<1x128x128xf32, #tpu.memory_space<vmem>>
    %dma_wait3A_68 = tpu.memref_squeeze %dma_wait3A_67 : memref<1x128x128xf32, #tpu.memory_space<vmem>> -> memref<128x128xf32, #tpu.memory_space<vmem>>
    %dma_wait3A_69 = arith.constant 0 : i32
    %dma_wait3A_70 = tpu.memref_slice %arg6[%dma_wait3A, %dma_wait3A_69] : memref<4x128xi32, #tpu.memory_space<vmem>> -> memref<1x128xi32, #tpu.memory_space<vmem>>
    %dma_wait3A_71 = tpu.memref_squeeze %dma_wait3A_70 : memref<1x128xi32, #tpu.memory_space<vmem>> -> memref<128xi32, #tpu.memory_space<vmem>>
    %dma_wait3A_72 = arith.constant 0 : i32
    %dma_wait3A_73 = arith.constant 0 : i32
    %dma_wait3A_74 = tpu.memref_slice %arg2[%dma_wait3A_72, %dma_wait3A_73] : memref<10000x128xf32, #tpu.memory_space<hbm>> -> memref<10000x128xf32, #tpu.memory_space<hbm>>
    tpu.wait_indirect_dma semaphore(%arg10 : memref<!tpu.dma_semaphore, #tpu.memory_space<semaphore_mem>>) src(%dma_wait3A_74 : memref<10000x128xf32, #tpu.memory_space<hbm>>) dst(%dma_wait3A_68 : memref<128x128xf32, #tpu.memory_space<vmem>>)
    %dma_wait3A_75 = arith.constant 0 : i32
    %dma_wait3A_76 = arith.constant 0 : i32
    %dma_wait3A_77 = tpu.memref_slice %arg6[%dma_wait3A_75, %dma_wait3A_76] : memref<4x128xi32, #tpu.memory_space<vmem>> -> memref<1x128xi32, #tpu.memory_space<vmem>>
    %dma_wait3A_78 = tpu.memref_squeeze %dma_wait3A_77 : memref<1x128xi32, #tpu.memory_space<vmem>> -> memref<128xi32, #tpu.memory_space<vmem>>
    %dma_wait3A_79 = arith.constant 0 : i32
    %dma_wait3A_80 = tpu.memref_slice %arg3[%dma_wait3A_79] : memref<327936xi32, #tpu.memory_space<hbm>> -> memref<128xi32, #tpu.memory_space<hbm>>
    %dma_wait3A_81 = arith.constant 0 : i32
    %dma_wait3A_82 = tpu.memref_slice %arg6[%dma_wait3A_75, %dma_wait3A_81] : memref<4x128xi32, #tpu.memory_space<vmem>> -> memref<1x128xi32, #tpu.memory_space<vmem>>
    %dma_wait3A_83 = tpu.memref_squeeze %dma_wait3A_82 : memref<1x128xi32, #tpu.memory_space<vmem>> -> memref<128xi32, #tpu.memory_space<vmem>>
    %dma_wait3A_84 = arith.constant 0 : i32
    %dma_wait3A_85 = tpu.memref_slice %arg3[%dma_wait3A_84] : memref<327936xi32, #tpu.memory_space<hbm>> -> memref<128xi32, #tpu.memory_space<hbm>>
    tpu.wait_dma2 semaphore(%arg14 : memref<!tpu.dma_semaphore, #tpu.memory_space<semaphore_mem>>) src(%dma_wait3A_85 : memref<128xi32, #tpu.memory_space<hbm>>) dst(%dma_wait3A_83 : memref<128xi32, #tpu.memory_space<vmem>>)
    %dma_wait3A_86 = arith.constant 0 : i32
    %dma_wait3A_87 = arith.constant 0 : i32
    %dma_wait3A_88 = tpu.memref_slice %arg7[%dma_wait3A_86, %dma_wait3A_87] : memref<4x128xi32, #tpu.memory_space<vmem>> -> memref<1x128xi32, #tpu.memory_space<vmem>>
    %dma_wait3A_89 = tpu.memref_squeeze %dma_wait3A_88 : memref<1x128xi32, #tpu.memory_space<vmem>> -> memref<128xi32, #tpu.memory_space<vmem>>
    %dma_wait3A_90 = arith.constant 0 : i32
    %dma_wait3A_91 = tpu.memref_slice %arg4[%dma_wait3A_90] : memref<327936xi32, #tpu.memory_space<hbm>> -> memref<128xi32, #tpu.memory_space<hbm>>
    %dma_wait3A_92 = arith.constant 0 : i32
    %dma_wait3A_93 = tpu.memref_slice %arg7[%dma_wait3A_86, %dma_wait3A_92] : memref<4x128xi32, #tpu.memory_space<vmem>> -> memref<1x128xi32, #tpu.memory_space<vmem>>
    %dma_wait3A_94 = tpu.memref_squeeze %dma_wait3A_93 : memref<1x128xi32, #tpu.memory_space<vmem>> -> memref<128xi32, #tpu.memory_space<vmem>>
    %dma_wait3A_95 = arith.constant 0 : i32
    %dma_wait3A_96 = tpu.memref_slice %arg4[%dma_wait3A_95] : memref<327936xi32, #tpu.memory_space<hbm>> -> memref<128xi32, #tpu.memory_space<hbm>>
    tpu.wait_dma2 semaphore(%arg14 : memref<!tpu.dma_semaphore, #tpu.memory_space<semaphore_mem>>) src(%dma_wait3A_96 : memref<128xi32, #tpu.memory_space<hbm>>) dst(%dma_wait3A_94 : memref<128xi32, #tpu.memory_space<vmem>>)
    %dma_wait3A_97 = arith.constant 1 : i32
    %dma_wait3A_98 = arith.constant 0 : i32
    %dma_wait3A_99 = arith.constant 0 : i32
    %dma_wait3A_100 = arith.constant 0 : i32
    %dma_wait3A_101 = tpu.memref_slice %arg8[%dma_wait3A_97, %dma_wait3A_99, %dma_wait3A_100] : memref<2x128x128xf32, #tpu.memory_space<vmem>> -> memref<1x128x128xf32, #tpu.memory_space<vmem>>
    %dma_wait3A_102 = tpu.memref_squeeze %dma_wait3A_101 : memref<1x128x128xf32, #tpu.memory_space<vmem>> -> memref<128x128xf32, #tpu.memory_space<vmem>>
    %dma_wait3A_103 = arith.constant 0 : i32
    %dma_wait3A_104 = tpu.memref_slice %arg7[%dma_wait3A_98, %dma_wait3A_103] : memref<4x128xi32, #tpu.memory_space<vmem>> -> memref<1x128xi32, #tpu.memory_space<vmem>>
    %dma_wait3A_105 = tpu.memref_squeeze %dma_wait3A_104 : memref<1x128xi32, #tpu.memory_space<vmem>> -> memref<128xi32, #tpu.memory_space<vmem>>
    %dma_wait3A_106 = arith.constant 0 : i32
    %dma_wait3A_107 = arith.constant 0 : i32
    %dma_wait3A_108 = tpu.memref_slice %arg9[%dma_wait3A_106, %dma_wait3A_107] : memref<10112x128xf32, #tpu.memory_space<vmem_shared>> -> memref<10112x128xf32, #tpu.memory_space<vmem_shared>>
    tpu.wait_indirect_dma semaphore(%arg13 : memref<!tpu.dma_semaphore, #tpu.memory_space<semaphore_mem>>) src(%dma_wait3A_102 : memref<128x128xf32, #tpu.memory_space<vmem>>) dst(%dma_wait3A_108 : memref<10112x128xf32, #tpu.memory_space<vmem_shared>>)
    %barrier3A_109 = arith.constant 0 : index
    tpu.barrier barrier_id(%barrier3A_109)
    %mul3A_110 = arith.constant 632 : i32
    %mul3A_111 = arith.muli %arg1, %mul3A_110 : i32
    "tpu.region"() ({
      %run_scoped3A_112 = tpu.sem_alloc : memref<!tpu.dma_semaphore, #tpu.memory_space<semaphore_mem>>
      %dma_start3A_113 = arith.constant 0 : i32
      %dma_start3A_114 = tpu.memref_slice %arg5[%arg0, %mul3A_111, %dma_start3A_113] : memref<2x10112x128xf32, #tpu.memory_space<hbm>> -> memref<1x632x128xf32, #tpu.memory_space<hbm>>
      %dma_start3A_115 = tpu.memref_squeeze %dma_start3A_114 : memref<1x632x128xf32, #tpu.memory_space<hbm>> -> memref<632x128xf32, #tpu.memory_space<hbm>>
      %dma_start3A_116 = arith.constant 0 : i32
      %dma_start3A_117 = tpu.memref_slice %arg9[%mul3A_111, %dma_start3A_116] : memref<10112x128xf32, #tpu.memory_space<vmem_shared>> -> memref<632x128xf32, #tpu.memory_space<vmem_shared>>
      tpu.enqueue_dma source(%dma_start3A_117 : memref<632x128xf32, #tpu.memory_space<vmem_shared>>) target(%dma_start3A_115 : memref<632x128xf32, #tpu.memory_space<hbm>>) target_semaphore(%run_scoped3A_112 : memref<!tpu.dma_semaphore, #tpu.memory_space<semaphore_mem>>)
      %dma_wait3A_118 = arith.constant 0 : i32
      %dma_wait3A_119 = tpu.memref_slice %arg5[%arg0, %mul3A_111, %dma_wait3A_118] : memref<2x10112x128xf32, #tpu.memory_space<hbm>> -> memref<1x632x128xf32, #tpu.memory_space<hbm>>
      %dma_wait3A_120 = tpu.memref_squeeze %dma_wait3A_119 : memref<1x632x128xf32, #tpu.memory_space<hbm>> -> memref<632x128xf32, #tpu.memory_space<hbm>>
      %dma_wait3A_121 = arith.constant 0 : i32
      %dma_wait3A_122 = tpu.memref_slice %arg9[%mul3A_111, %dma_wait3A_121] : memref<10112x128xf32, #tpu.memory_space<vmem_shared>> -> memref<632x128xf32, #tpu.memory_space<vmem_shared>>
      tpu.wait_dma2 semaphore(%run_scoped3A_112 : memref<!tpu.dma_semaphore, #tpu.memory_space<semaphore_mem>>) src(%dma_wait3A_122 : memref<632x128xf32, #tpu.memory_space<vmem_shared>>) dst(%dma_wait3A_120 : memref<632x128xf32, #tpu.memory_space<hbm>>)
      tpu.yield
    }) : () -> ()
    return
  }
}

module attributes {stable_mosaic.version = 14 : i64} {
  func.func @_tc_body(%arg0: i32, %arg1: memref<2x2000x128xf32, #tpu.memory_space<vmem>>, %arg2: memref<128x128xf32, #tpu.memory_space<vmem>>, %arg3: memref<1x128xf32, #tpu.memory_space<vmem>>, %arg4: memref<2000x128xf32, #tpu.memory_space<vmem>>) attributes {dimension_semantics = [#tpu.dimension_semantics<arbitrary>], iteration_bounds = array<i64: 5>, scalar_prefetch = 0 : i64, scratch_operands = 0 : i64, tpu.core_type = #tpu.core_type<tc>, window_params = [{transform_indices = @transform_0, window_bounds = array<i64: 2, 2000, 128>}, {pipeline_mode = #tpu.pipeline_mode<synchronous>, transform_indices = @transform_1, window_bounds = array<i64: 128, 128>}, {pipeline_mode = #tpu.pipeline_mode<synchronous>, transform_indices = @transform_2, window_bounds = array<i64: 1, 128>}, {transform_indices = @transform_3, window_bounds = array<i64: 2000, 128>}]} {
    %get3A = arith.constant 0 : index
    %get3A_0 = arith.constant 0 : index
    %get3A_1 = arith.constant 0 : index
    %get3A_2 = vector.load %arg1[%get3A, %get3A_0, %get3A_1] : memref<2x2000x128xf32, #tpu.memory_space<vmem>>, vector<1x2000x128xf32>
    %get3A_3 = vector.shape_cast %get3A_2 : vector<1x2000x128xf32> to vector<2000x128xf32>
    %get3A_4 = arith.constant 1 : index
    %get3A_5 = arith.constant 0 : index
    %get3A_6 = arith.constant 0 : index
    %get3A_7 = vector.load %arg1[%get3A_4, %get3A_5, %get3A_6] : memref<2x2000x128xf32, #tpu.memory_space<vmem>>, vector<1x2000x128xf32>
    %get3A_8 = vector.shape_cast %get3A_7 : vector<1x2000x128xf32> to vector<2000x128xf32>
    %add3A = arith.addf %get3A_3, %get3A_8 : vector<2000x128xf32>
    %get3A_9 = arith.constant 0 : index
    %get3A_10 = arith.constant 0 : index
    %get3A_11 = vector.load %arg2[%get3A_9, %get3A_10] : memref<128x128xf32, #tpu.memory_space<vmem>>, vector<128x128xf32>
    %dot_general3A = arith.constant dense<0.000000e+00> : vector<2000x128xf32>
    %dot_general3A_12 = tpu.matmul %add3A, %get3A_11, %dot_general3A {dimension_numbers = #tpu.dot_dimension_numbers<[1], [1], [0], [0], [0, 0, 1, 0], [], []>, transpose_lhs_hint = false} : vector<2000x128xf32>, vector<128x128xf32>, vector<2000x128xf32> -> vector<2000x128xf32>
    %get3A_13 = arith.constant 0 : index
    %get3A_14 = arith.constant 0 : index
    %get3A_15 = vector.load %arg3[%get3A_13, %get3A_14] : memref<1x128xf32, #tpu.memory_space<vmem>>, vector<1x128xf32>
    %add3A_16 = vector.broadcast %get3A_15 : vector<1x128xf32> to vector<2000x128xf32>
    %add3A_17 = arith.addf %dot_general3A_12, %add3A_16 : vector<2000x128xf32>
    %max3A = arith.constant 0.000000e+00 : f32
    %max3A_18 = vector.broadcast %max3A : f32 to vector<2000x128xf32>
    %max3A_19 = arith.maximumf %add3A_17, %max3A_18 : vector<2000x128xf32>
    %swap3A = arith.constant 0 : index
    %swap3A_20 = arith.constant 0 : index
    %swap3A_21 = vector.load %arg4[%swap3A, %swap3A_20] : memref<2000x128xf32, #tpu.memory_space<vmem>>, vector<2000x128xf32>
    tpu.vector_store %arg4[%swap3A, %swap3A_20], %max3A_19 {strides = array<i32>} : memref<2000x128xf32, #tpu.memory_space<vmem>>, vector<2000x128xf32>,
    return
  }
  func.func @transform_0(%arg0: i32) -> (i32, i32, i32) {
    %c0_i32 = arith.constant 0 : i32
    %c0_i32_0 = arith.constant 0 : i32
    %c0_i32_1 = arith.constant 0 : i32
    return %c0_i32, %arg0, %c0_i32_0 : i32, i32, i32
  }
  func.func @transform_1(%arg0: i32) -> (i32, i32) {
    %c0_i32 = arith.constant 0 : i32
    %c0_i32_0 = arith.constant 0 : i32
    %c0_i32_1 = arith.constant 0 : i32
    return %c0_i32, %c0_i32_0 : i32, i32
  }
  func.func @transform_2(%arg0: i32) -> (i32, i32) {
    %c0_i32 = arith.constant 0 : i32
    %c0_i32_0 = arith.constant 0 : i32
    %c0_i32_1 = arith.constant 0 : i32
    return %c0_i32, %c0_i32_0 : i32, i32
  }
  func.func @transform_3(%arg0: i32) -> (i32, i32) {
    %c0_i32 = arith.constant 0 : i32
    %c0_i32_0 = arith.constant 0 : i32
    return %arg0, %c0_i32 : i32, i32
  }
}

</mosaic_0001>

<sc_bundles>
// kernel: kernel.4.cloned.1.call-start
scs
__scs_entry_jumppad:
0x0: {  	(pc) =	sbr.rel $0x88, $3  }
0x1: {  	(tag) =	ssettag $0x0;
	lr =	simm.s32 $0x1  }
0x2: {  	[smem:$0x3F9D] =	sst lr;
	_ =	strace $0xD0000000  }
0x3: {  	_ = 	snop  }
0x4: {  	_ = 	snop  }
0x5: {  	_ = 	snop  }
0x6: {  	_ = 	snop  }
0x7: {  	_ = 	snop  }
__scs_overlays_trampoline_lowered:
0x8: {  	[smem:$0x3FAC] =	sst s0  }
0x9: {  	[smem:$0x3FAD] =	sst s1  }
0xa: {  	[smem:$0x3FAE] =	sst s2  }
0xb: {  	[smem:$0x3FAF] =	sst s3  }
0xc: {  	[smem:$0x3FB0] =	sst s4  }
0xd: {  	[smem:$0x3FB1] =	sst s5  }
0xe: {  	[smem:$0x3FB2] =	sst s6  }
0xf: {  	[smem:$0x3FB3] =	sst s7  }
0x10: {  	[smem:$0x3FB4] =	sst s8  }
0x11: {  	[smem:$0x3FB5] =	sst s9;
	s0 =	simm.s32 @!p0 $0x0  }
0x12: {  	s1 =	sld [smem:$0x3F9B];
	s0 =	simm.s32 @p0 $0x1  }
0x13: {  	[smem:$0x3FB6] =	sst s0;
	s0 =	simm.s32 @!p1 $0x0  }
0x14: {  	s2 =	sld [smem:$0x3F9A];
	s0 =	simm.s32 @p1 $0x1  }
0x15: {  	[smem:$0x3FB7] =	sst s0;
	s0 =	simm.s32 @!p2 $0x0  }
0x16: {  	s3 =	sld [smem:$0x3FDB];
	s0 =	simm.s32 @p2 $0x1  }
0x17: {  	s4 =	simm.s32 $0x1BF5;
	[smem:$0x3FB9] =	sst s0  }
0x18: {  	s0 =	sld [smem:$0x3F9C];
	_ =	swait.ge [sflag:s4], $0x0  }
0x19: {  	s7 =	sld [smem:$0x3F9D]  }
0x1a: {  	s8 =	sadd.s32 $0xFFFFE003, lr  }
0x1b: {  	s9 =	sadd.s32 $0xFFFFFEF7, lr;
	s5 =	simm.s32 $0xFFFFFFFF;
	p2 =	slt.u32 s8, $0xFFFFF086  }
0x1c: {  	p1 =	slt.u32 s9, $0xF7A;
	s5 =	simm.s32 @!p2 $0x0  }
0x1d: {  	s5 =	simm.s32 @p1 $0x1;
	p0 =	seq.s32 s7, s2  }
0x1e: {  	s7 =	smul.u32 @!p0 $0xF7A, s2;
	p2 =	seq.s32 @!p0 s5, $0x0  }
0x1f: {  	s9 =	smul.u32 $0xF7A, s1;
	s8 =	simm.s32 @!p0 $0x1BF5;
	p2 =	por !p2, p0  }
0x20: {  	[sflag:s8] =	ssyncset.s32 @!p0 $0xFFFFF086;
	s6 =	sadd.s32 @!p0 s3, s7;
	s7 =	simm.s32 @!p0 $0x108  }
0x21: {  	s3 =	sadd.s32 s3, s9;
	s6 =	sadd.s32 @!p0 $0x88, s6;
	s7 =	simm.s32 @p2 $0x1082  }
0x22: {  	[simem:s7], [sflag:s8] =	dma.local @!p0 [hbm:s6], $0xF7A  }
0x23: {  	s9 =	sor.u32 $0xD0000000, s2;
	s6 =	simm.s32 $0x108;
	_ =	swait.ge @!p0 [sflag:s8], $0x0  }
0x24: {  	s3 =	sadd.s32 $0x88, s3;
	s6 =	simm.s32 @!p1 $0x1082;
	[sflag:s4] =	ssyncset.s32 $0xFFFFF086  }
0x25: {  	[simem:s6], [sflag:s4] =	dma.local [hbm:s3], $0xF7A  }
0x26: {  	[smem:$0x3F9D] =	sst s1;
	(tag) =	ssettag s2;
	_ =	strace s9  }
0x27: {  	s1 =	sld [smem:$0x3FAD]  }
0x28: {  	s2 =	sld [smem:$0x3FAE]  }
0x29: {  	s4 =	sld [smem:$0x3FB0]  }
0x2a: {  	p0 =	seq.s32 s5, $0x0;
	s5 =	sld [smem:$0x3FB1]  }
0x2b: {  	s6 =	sld [smem:$0x3FB2]  }
0x2c: {  	s7 =	sld [smem:$0x3FB3]  }
0x2d: {  	s3 =	simm.s32 $0x108;
	s8 =	sld [smem:$0x3FB4]  }
0x2e: {  	s3 =	simm.s32 @!p0 $0x1082;
	s9 =	sld [smem:$0x3FB5]  }
0x2f: {  	lr =	sadd.s32 s0, s3;
	s0 =	sld [smem:$0x3FAC]  }
0x30: {  	s3 =	sld [smem:$0x3FAF]  }
0x31: {  	[smem:$0x3FB8] =	sst s10  }
0x32: {  	s10 =	sld [smem:$0x3FB6];
	_ =	sdelay $0x3  }
0x33: {  	p0 =	seq.s32 s10, $0x1;
	s10 =	sld [smem:$0x3FB8];
	_ =	sdelay $0x3  }
0x34: {  	[smem:$0x3FB8] =	sst s10  }
0x35: {  	s10 =	sld [smem:$0x3FB7];
	_ =	sdelay $0x3  }
0x36: {  	p1 =	seq.s32 s10, $0x1;
	s10 =	sld [smem:$0x3FB8];
	_ =	sdelay $0x3  }
0x37: {  	[smem:$0x3FB8] =	sst s10  }
0x38: {  	s10 =	sld [smem:$0x3FB9]  }
0x39: {  	_ = 	snop;
	(pc) =	sbr.ind lr, $3  }
0x3a: {  	_ = 	snop  }
0x3b: {  	_ = 	snop  }
0x3c: {  	p2 =	seq.s32 s10, $0x1;
	s10 =	sld [smem:$0x3FB8]  }
0x3d: {  	_ =	shalt  }
0x3e: {  	_ =	shalt  }
0x3f: {  	_ =	shalt  }
0x40: {  	_ =	shalt  }
0x41: {  	_ =	shalt  }
0x42: {  	_ =	shalt  }
0x43: {  	_ =	shalt  }
0x44: {  	_ =	shalt  }
0x45: {  	_ =	shalt  }
0x46: {  	_ =	shalt  }
0x47: {  	_ =	shalt  }
0x48: {  	_ =	shalt  }
0x49: {  	_ =	shalt  }
0x4a: {  	_ =	shalt  }
0x4b: {  	_ =	shalt  }
0x4c: {  	_ =	shalt  }
0x4d: {  	_ =	shalt  }
0x4e: {  	_ =	shalt  }
0x4f: {  	_ =	shalt  }
0x50: {  	_ =	shalt  }
0x51: {  	_ =	shalt  }
0x52: {  	_ =	shalt  }
0x53: {  	_ =	shalt  }
0x54: {  	_ =	shalt  }
0x55: {  	_ =	shalt  }
0x56: {  	_ =	shalt  }
0x57: {  	_ =	shalt  }
0x58: {  	_ =	shalt  }
0x59: {  	_ =	shalt  }
0x5a: {  	_ =	shalt  }
0x5b: {  	_ =	shalt  }
0x5c: {  	_ =	shalt  }
0x5d: {  	_ =	shalt  }
0x5e: {  	_ =	shalt  }
0x5f: {  	_ =	shalt  }
0x60: {  	_ =	shalt  }
0x61: {  	_ =	shalt  }
0x62: {  	_ =	shalt  }
0x63: {  	_ =	shalt  }
0x64: {  	_ =	shalt  }
0x65: {  	_ =	shalt  }
0x66: {  	_ =	shalt  }
0x67: {  	_ =	shalt  }
0x68: {  	_ =	shalt  }
0x69: {  	_ =	shalt  }
0x6a: {  	_ =	shalt  }
0x6b: {  	_ =	shalt  }
0x6c: {  	_ =	shalt  }
0x6d: {  	_ =	shalt  }
0x6e: {  	_ =	shalt  }
0x6f: {  	_ =	shalt  }
0x70: {  	_ =	shalt  }
0x71: {  	_ =	shalt  }
0x72: {  	_ =	shalt  }
0x73: {  	_ =	shalt  }
0x74: {  	_ =	shalt  }
0x75: {  	_ =	shalt  }
0x76: {  	_ =	shalt  }
0x77: {  	_ =	shalt  }
0x78: {  	_ =	shalt  }
0x79: {  	_ =	shalt  }
0x7a: {  	_ =	shalt  }
0x7b: {  	_ =	shalt  }
0x7c: {  	_ =	shalt  }
0x7d: {  	_ =	shalt  }
0x7e: {  	_ =	shalt  }
0x7f: {  	_ =	shalt  }
0x80: {  	_ =	shalt  }
0x81: {  	_ =	shalt  }
0x82: {  	_ =	shalt  }
0x83: {  	_ =	shalt  }
0x84: {  	_ =	shalt  }
0x85: {  	_ =	shalt  }
0x86: {  	_ =	shalt  }
0x87: {  	_ =	shalt  }
.Lfunc_end0:
.L_simem_size_0:
called_computation_lowered:
.L_overlay_start_0:
0x88: {  	s2 =	sld [smem:$0x3FD9]  }
0x89: {  	s3 =	sld [smem:$0x3FFE];
	_ =	sdelay $0x1  }
0x8a: {  	s1 =	srdreg.scid  }
0x8b: {  	s0 =	sand.u32 $0x1, s1  }
0x8c: {  	s17 =	sshll.u32 s0, $0xA;
	s2 =	sadd.s32 s3, s2  }
0x8d: {  	s2 =	sadd.s32 s2, s17  }
0x8e: {  	[smem:$0x3FC4] =	sst s2  }
0x8f: {  	_ = 	snop  }
0x90: {  	s2 =	sld [smem:$0x3FC9]  }
0x91: {  	s18 =	sld [smem:$0x3FD0];
	(tm) =	ssettm $0x1  }
0x92: {  	s4 =	sld [smem:$0x3FFB];
	_ =	sdelay $0x3  }
0x93: {  	_ =	strace s4  }
0x94: {  	s4 =	sld [smem:$0x3FFC];
	_ =	sdelay $0x3  }
0x95: {  	_ =	strace s4  }
0x96: {  	s4 =	sld [smem:$0x3FFD];
	_ =	sdelay $0x3  }
0x97: {  	_ =	strace s4  }
0x98: {  	_ =	strace $0x8FFFFFFF  }
0x99: {  	s19 =	sld [smem:$0x3FDB];
	_ =	sdelay $0x1  }
0x9a: {  	s5 =	simm.s32 $_scs_section_size  }
0x9b: {  	s6 =	simm.s32 $_size__tile_overlayer_lowered;
	s7 =	simm.s32 $_tile_overlayer_lowered  }
0x9c: {  	s22 =	simm.s32 $0x1BFF;
	s21 =	sshll.u32 s7, $0x1;
	s4 =	sadd.s32 s5, s19  }
0x9d: {  	s8 =	simm.s32 $0x0;
	s20 =	sshll.u32 s6, $0x1;
	s6 =	sadd.s32 s21, s4  }
0x9e: {  	[timem:s8], [sflag:s22] =	dma.local [hbm:s6], s20  }
0x9f: {  	_ =	swait.ge [sflag:s22], s20  }
0xa0: {  	s5 =	ssub.s32 $0x0, s20;
	[sflag:s22] =	ssyncset.done $0x0  }
0xa1: {  	[sflag:s22] =	ssyncadd.s32 s5;
	_ =	sdelay $0x1  }
0xa2: {  	s23 =	simm.s32 $0x1B8B  }
0xa3: {  	_ =	swait.ge [sflag:s23], $0x1  }
0xa4: {  	[sflag:s23] =	ssyncset.done $0x0  }
0xa5: {  	s25 =	simm.s32 $0x1B8E;
	s24 =	sld [smem:$0x3FFE];
	[sflag:s23] =	ssyncadd.s32 $0xFFFFFFFF  }
0xa6: {  	s26 =	simm.s32 $execute0_lowered;
	[smem:$0x3FD2] =	sst s25  }
0xa7: {  	s6 =	sshll.u32 s26, $0x1;
	_ =	strace $0x80000046;
	[dreg:$0x1] =	wrdreg $0xFFFFFFFF  }
0xa8: {  	s28 =	simm.s32 $_size_execute0_lowered;
	s4 =	sadd.s32 s4, s6;
	[dreg:$0x0] =	wrdreg $0x0  }
0xa9: {  	s6 =	sshll.u32 s28, $0x1;
	[dreg:$0x2] =	wrdreg s4  }
0xaa: {  	[dreg:$0x3] =	wrdreg s6  }
0xab: {  	[dreg:$0x4] =	wrdreg $0xC0  }
0xac: {  	_ =	task [dreg:s8], $0x5FFFF  }
0xad: {  	[dreg:$0x1] =	wrdreg $0xFFFFFFFF  }
0xae: {  	[dreg:$0x0] =	wrdreg $0x60  }
0xaf: {  	[dreg:$0x2] =	wrdreg s2  }
0xb0: {  	[dreg:$0x3] =	wrdreg s18  }
0xb1: {  	[dreg:$0x4] =	wrdreg s24  }
0xb2: {  	[dreg:$0x5] =	wrdreg $0x84000  }
0xb3: {  	[dreg:$0x6] =	wrdreg $0x9  }
0xb4: {  	_ =	task.clear_ibuf [dreg:s8], $0x7FFFF;
	_ =	strace $0x90000046  }
0xb5: {  	s29 =	simm.s32 $0x9;
	_ =	strace $0x80000048  }
0xb6: {  	_ =	swait.ge [sflag:s29], $0x1  }
0xb7: {  	[sflag:s29] =	ssyncadd.s32 $0xFFFFFFFF  }
0xb8: {  	_ =	strace $0x90000048  }
0xb9: {  	_ =	sfence  }
0xba: {  	s30 =	sld [smem:$0x0];
	_ =	sdelay $0x2  }
0xbb: {  	s31 =	sshll.u32 s1, $0xD;
	s1 =	sshrl.u32 s1, $0x2  }
0xbc: {  	s3 =	sand.u32 $0x4000, s31;
	s1 =	sadd.s32 s1, s30  }
0xbd: {  	s0 =	sor.u32 s3, s0;
	s1 =	sshll.u32 s1, $0x11  }
0xbe: {  	s0 =	sor.u32 s1, s0  }
0xbf: {  	s0 =	sadd.s32 $0x8F2B, s0  }
0xc0: {  	[sflag:s0] =	ssyncadd.remote.s32 $0x1  }
0xc1: {  	_ =	sfence.sel $0xFFFF  }
0xc2: {  	[dreg:$0x0] =	wrdreg $0xFFFFFFFF;
	(pc) =	sbr.abs _section_cstart, $3  }
0xc3: {  	[dreg:$0x1] =	wrdreg $0xFFFFFFFF  }
0xc4: {  	_ =	task.clear_ibuf [dreg:s8], $0x2FFFF;
	_ =	strace $0x9FFFFFFF  }
0xc5: {  	(tm) =	ssettm $0x7FFFFFFF  }
tec
execute0_lowered:
.L_overlay_start_1:
0x0: {  	(tag) =	ssettag $0x1  }
0x1: {  	s0 =	rddreg [dreg:$0x0]  }
0x2: {  	s1 =	rddreg [dreg:$0x1]  }
0x3: {  	s2 =	rddreg [dreg:$0x2]  }
0x4: {  	s4 =	srdreg.scid;
	s11 =	stileid.u32  }
0x5: {  	s3 =	rddreg [dreg:$0x3];
	s28 =	simm.s32 $0x4400;
	s7 =	smul.u32 $0x13C00, s11  }
0x6: {  	s29 =	simm.s32 $0x100;
	s30 =	simm.s32 $0x300;
	s8 =	smul.u32 $0x4F000, s11  }
0x7: {  	s31 =	simm.s32 $0x2;
	s6 =	sand.u32 $0x1, s4;
	s23 =	smul.u32 $0x2800, s11  }
0x8: {  	s4 =	simm.s32 $0x0;
	s9 =	sadd.s32 $0x200, s2;
	s5 =	smul.u32 $0x13C000, s6  }
0x9: {  	[smem:$0x7FF] =	sst s4;
	s17 =	sshll.u32 s6, $0x4;
	s19 =	ssub.s32 $0x2, s6  }
0xa: {  	s6 =	smul.u32 $0x28000, s6;
	_ =	strace $0x80000047;
	s18 =	sor.u32 s11, s17  }
0xb: {  	s20 =	sshrl.u32 s8, $0x2;
	s21 =	sshrl.u32 s19, $0x1;
	s8 =	simm.s32 $0x0  }
0xc: {  	s5 =	sadd.s32 s7, s5;
	s10 =	smul.u32 $0x2800, s18;
	s6 =	sadd.s32 s23, s6  }
0xd: {  	s7 =	ssub.s32 s19, s21;
	s5 =	sshrl.u32 s5, $0x3;
	s15 =	sor.u32 $0x280, s6  }
0xe: {  	s19 =	sor.u32 $0x200, s6;
	s2 =	sadd.s32 s5, s2;
	s5 =	sadd.s32 s20, s3  }
0xf: {  	s10 =	sshrl.u32 s10, $0x3;
	s17 =	sshrl.u32 s15, $0x3;
	s22 =	sadd.s32 $0x4000, s5  }
0x10: {  	s21 =	sshrl.u32 s19, $0x3;
	s24 =	sadd.s32 $0x8000, s5;
	[dreg:$0x9] =	wrdreg s22  }
0x11: {  	s15 =	smax.u32 s7, $0x1;
	s25 =	sadd.s32 $0xC000, s5;
	[dreg:$0xa] =	wrdreg s24  }
0x12: {  	s7 =	simm.s32 $0x4;
	s26 =	sadd.s32 $0x10000, s5;
	[dreg:$0xb] =	wrdreg s25  }
0x13: {  	s12 =	sadd.s32 s1, s10;
	s13 =	sadd.s32 s9, s10;
	[dreg:$0xc] =	wrdreg s26  }
0x14: {  	s14 =	sor.u32 $0x10, s10;
	s18 =	sadd.s32 s17, s9;
	[dreg:$0xd] =	wrdreg s12  }
0x15: {  	s20 =	sadd.s32 s17, s1;
	s23 =	sadd.s32 s21, s1;
	[dreg:$0xe] =	wrdreg s13  }
0x16: {  	s16 =	sadd.s32 s1, s14;
	s13 =	sadd.s32 s9, s14;
	[dreg:$0x5] =	wrdreg s18  }
0x17: {  	s14 =	sadd.s32 $0xA400, s2;
	[dreg:$0x6] =	wrdreg s20;
	s22 =	sadd.s32 s21, s9  }
0x18: {  	s24 =	sor.u32 $0x180, s6;
	[dreg:$0x8] =	wrdreg s23;
	s6 =	sor.u32 $0x100, s6  }
0x19: {  	s20 =	simm.s32 $0x400;
	s21 =	simm.s32 $0x6;
	[dreg:$0xf] =	wrdreg s16  }
0x1a: {  	s23 =	simm.s32 $0x80;
	s2 =	simm.s32 $0x180;
	[dreg:$0x7] =	wrdreg s22  }
0x1b: {  	s25 =	sshrl.u32 s24, $0x3;
	s26 =	sshrl.u32 s6, $0x3;
	s22 =	simm.s32 $0x200  }
0x1c: {  	s24 =	simm.s32 $0x280;
	s6 =	simm.s32 $0x380;
	s16 =	sadd.s32 s25, s9  }
0x1d: {  	s17 =	sadd.s32 s25, s1;
	s18 =	sadd.s32 s26, s9;
	s19 =	sadd.s32 s26, s1  }
0x1e: {  	v0 =	vimm.f32 $0.0e+00;
	s25 =	simm.s32 $0x1;
	s26 =	simm.s32 $0x5;
	s1 =	simm.s32 $0x3  }
.LBB2_1:
0x1f: {  	s9 =	simm.s32 $0x0;
	s10 =	simm.s32 $0x200  }
.LBB2_2:
0x20: {  	p0 =	sne.s32 s10, $0xFE00;
	[tilespmem:s9+$0x470] =	vst v0  }
0x21: {  	[tilespmem:s9+$0x400] =	vst v0  }
0x22: {  	[tilespmem:s9+$0x410] =	vst v0  }
.Ltmp0:
0x23: {  	[tilespmem:s9+$0x420] =	vst v0;
	(pc) =	sbr.rel @p0 .LBB2_2-.Ltmp0, $4  }
0x24: {  	[tilespmem:s9+$0x430] =	vst v0  }
0x25: {  	[tilespmem:s9+$0x440] =	vst v0  }
0x26: {  	[tilespmem:s9+$0x450] =	vst v0  }
0x27: {  	[tilespmem:s9+$0x460] =	vst v0;
	s9 =	sshra.s32 s10, $0x2;
	s10 =	sadd.s32 $0x200, s10  }
0x28: {  	[tilespmem:s9+$0x470] =	vst v0  }
0x29: {  	[tilespmem:s9+$0x400] =	vst v0  }
0x2a: {  	[tilespmem:s9+$0x410] =	vst v0  }
0x2b: {  	[tilespmem:s9+$0x420] =	vst v0  }
0x2c: {  	[tilespmem:s9+$0x430] =	vst v0  }
0x2d: {  	[tilespmem:s9+$0x440] =	vst v0  }
0x2e: {  	[tilespmem:s9+$0x450] =	vst v0  }
0x2f: {  	[tilespmem:s9+$0x460] =	vst v0  }
0x30: {  	[spmem:s5] =	stream.linear.scatter [tilespmem:s20], [sflag:$0x6], $0x4000, $0x38;
	[tilespmem:$0x1C000] =	vst v63  }
0x31: {  	_ =	swait.ge [sflag:s21], $0x4000  }
0x32: {  	[sflag:s21] =	ssyncset.done $0x0  }
0x33: {  	s10 =	rddreg [dreg:$0x9];
	[sflag:s21] =	ssyncadd.s32 $0xFFFFC000  }
0x34: {  	[spmem:s10] =	stream.linear.scatter [tilespmem:s20], [sflag:$0x6], $0x4000, $0x38;
	[tilespmem:$0x1C000] =	vst v63  }
0x35: {  	_ =	swait.ge [sflag:s21], $0x4000  }
0x36: {  	[sflag:s21] =	ssyncset.done $0x0  }
0x37: {  	s11 =	rddreg [dreg:$0xa];
	[sflag:s21] =	ssyncadd.s32 $0xFFFFC000  }
0x38: {  	[spmem:s11] =	stream.linear.scatter [tilespmem:s20], [sflag:$0x6], $0x4000, $0x38;
	[tilespmem:$0x1C000] =	vst v63  }
0x39: {  	_ =	swait.ge [sflag:s21], $0x4000  }
0x3a: {  	[sflag:s21] =	ssyncset.done $0x0  }
0x3b: {  	s12 =	rddreg [dreg:$0xb];
	[sflag:s21] =	ssyncadd.s32 $0xFFFFC000  }
0x3c: {  	[spmem:s12] =	stream.linear.scatter [tilespmem:s20], [sflag:$0x6], $0x4000, $0x38;
	[tilespmem:$0x1C000] =	vst v63  }
0x3d: {  	_ =	swait.ge [sflag:s21], $0x4000  }
0x3e: {  	[sflag:s21] =	ssyncset.done $0x0  }
0x3f: {  	s10 =	rddreg [dreg:$0xc];
	[sflag:s21] =	ssyncadd.s32 $0xFFFFC000  }
0x40: {  	[spmem:s10] =	stream.linear.scatter [tilespmem:s20], [sflag:$0x6], $0x3C00, $0x38;
	[tilespmem:$0x1C000] =	vst v63  }
0x41: {  	_ =	swait.ge [sflag:s21], $0x3C00  }
0x42: {  	[sflag:s21] =	ssyncset.done $0x0  }
0x43: {  	[sflag:s21] =	ssyncadd.s32 $0xFFFFC400  }
0x44: {  	[bflag:$0x0] =	sbarrier.arrive $0xFFFF  }
0x45: {  	s9 =	simm.s32 $0x0;
	s10 =	rddreg [dreg:$0xd]  }
0x46: {  	[tilespmem:s9], [sflag:$0x6] =	stream.linear.gather [hbm4b:s10+s9], $0x80, $0x38;
	[tilespmem:$0x1C000] =	vst v63  }
0x47: {  	_ =	swait.ge [sflag:s21], $0x80  }
0x48: {  	[sflag:s21] =	ssyncset.done $0x0  }
0x49: {  	s11 =	rddreg [dreg:$0xe];
	[sflag:s21] =	ssyncadd.s32 $0xFFFFFF80  }
0x4a: {  	[tilespmem:s22], [sflag:$0x6] =	stream.linear.gather [hbm4b:s11+s9], $0x80, $0x38;
	[tilespmem:$0x1C000] =	vst v63  }
0x4b: {  	_ =	swait.ge [sflag:s21], $0x80  }
0x4c: {  	[sflag:s21] =	ssyncset.done $0x0  }
0x4d: {  	[sflag:s21] =	ssyncadd.s32 $0xFFFFFF80  }
0x4e: {  	[tilespmem:s20], [sflag:$0x1] =	stream.indirect.gather [hbm4b:s0+s23], $0x80, s9, s23, $0xb8;
	[tilespmem:$0x1C000] =	vst v63  }
0x4f: {  	s12 =	rddreg [dreg:$0xf]  }
0x50: {  	[tilespmem:s23], [sflag:$0x5] =	stream.linear.gather [hbm4b:s12+s9], $0x80, $0x38;
	[tilespmem:$0x1C000] =	vst v63  }
0x51: {  	_ = 	snop  }
0x52: {  	[tilespmem:s24], [sflag:$0x5] =	stream.linear.gather [hbm4b:s13+s9], $0x80, $0x38;
	[tilespmem:$0x1C000] =	vst v63  }
0x53: {  	_ =	swait.ge [sflag:s25], $0x4000  }
0x54: {  	[sflag:s25] =	ssyncset.done $0x0  }
0x55: {  	[sflag:s25] =	ssyncadd.s32 $0xFFFFC000  }
0x56: {  	[spmem:s3] =	stream.indirect.scatter.add.f32 [tilespmem:s20], [sflag:$0x3], $0x80, s22, s23, $0xb8;
	[tilespmem:$0x1C000] =	vst v63  }
0x57: {  	_ =	swait.ge [sflag:s26], $0x80  }
0x58: {  	[sflag:s26] =	ssyncset.done $0x0  }
0x59: {  	[sflag:s26] =	ssyncadd.s32 $0xFFFFFF80  }
0x5a: {  	_ =	swait.ge [sflag:s26], $0x80  }
0x5b: {  	p0 =	por $0x1, $0x1;
	[sflag:s26] =	ssyncset.done $0x0  }
0x5c: {  	s9 =	simm.s32 @!p0 $0x4;
	[sflag:s26] =	ssyncadd.s32 $0xFFFFFF80  }
0x5d: {  	_ =	swait.ge @!p0 [sflag:s9], $0x4000  }
0x5e: {  	[sflag:s9] =	ssyncset.done @!p0 $0x0  }
0x5f: {  	[sflag:s9] =	ssyncadd.s32 @!p0 $0xFFFFC000  }
0x60: {  	[tilespmem:s28], [sflag:$0x2] =	stream.indirect.gather [hbm4b:s0+s23], $0x80, s23, s23, $0xb8;
	[tilespmem:$0x1C000] =	vst v63  }
0x61: {  	s10 =	sadd.s32 $0x0, s19  }
0x62: {  	[tilespmem:s29], [sflag:$0x5] =	stream.linear.gather [hbm4b:s10+s4], $0x80, $0x38;
	[tilespmem:$0x1C000] =	vst v63  }
0x63: {  	s11 =	sadd.s32 $0x0, s18  }
0x64: {  	[tilespmem:s30], [sflag:$0x5] =	stream.linear.gather [hbm4b:s11+s4], $0x80, $0x38;
	[tilespmem:$0x1C000] =	vst v63  }
0x65: {  	_ =	swait.ge [sflag:s31], $0x4000  }
0x66: {  	[sflag:s31] =	ssyncset.done $0x0  }
0x67: {  	[sflag:s31] =	ssyncadd.s32 $0xFFFFC000  }
0x68: {  	[spmem:s3] =	stream.indirect.scatter.add.f32 [tilespmem:s28], [sflag:$0x4], $0x80, s24, s23, $0xb8;
	[tilespmem:$0x1C000] =	vst v63  }
0x69: {  	_ =	swait.ge [sflag:s26], $0x80  }
0x6a: {  	[sflag:s26] =	ssyncset.done $0x0  }
0x6b: {  	[sflag:s26] =	ssyncadd.s32 $0xFFFFFF80  }
0x6c: {  	_ =	swait.ge [sflag:s26], $0x80  }
0x6d: {  	[sflag:s26] =	ssyncset.done $0x0  }
0x6e: {  	[sflag:s26] =	ssyncadd.s32 $0xFFFFFF80  }
0x6f: {  	_ =	swait.ge [sflag:s1], $0x4000  }
0x70: {  	[sflag:s1] =	ssyncset.done $0x0  }
0x71: {  	[sflag:s1] =	ssyncadd.s32 $0xFFFFC000  }
0x72: {  	[tilespmem:s20], [sflag:$0x1] =	stream.indirect.gather [hbm4b:s0+s23], $0x80, s29, s23, $0xb8;
	[tilespmem:$0x1C000] =	vst v63  }
0x73: {  	s12 =	sadd.s32 $0x0, s17  }
0x74: {  	[tilespmem:s2], [sflag:$0x5] =	stream.linear.gather [hbm4b:s12+s4], $0x80, $0x38;
	[tilespmem:$0x1C000] =	vst v63  }
0x75: {  	s10 =	sadd.s32 $0x0, s16  }
0x76: {  	[tilespmem:s6], [sflag:$0x5] =	stream.linear.gather [hbm4b:s10+s4], $0x80, $0x38;
	[tilespmem:$0x1C000] =	vst v63  }
0x77: {  	_ =	swait.ge [sflag:s25], $0x4000  }
0x78: {  	[sflag:s25] =	ssyncset.done $0x0  }
0x79: {  	[sflag:s25] =	ssyncadd.s32 $0xFFFFC000  }
0x7a: {  	[spmem:s3] =	stream.indirect.scatter.add.f32 [tilespmem:s20], [sflag:$0x3], $0x80, s30, s23, $0xb8;
	[tilespmem:$0x1C000] =	vst v63  }
0x7b: {  	_ =	swait.ge [sflag:s26], $0x80  }
0x7c: {  	[sflag:s26] =	ssyncset.done $0x0  }
0x7d: {  	[sflag:s26] =	ssyncadd.s32 $0xFFFFFF80  }
0x7e: {  	_ =	swait.ge [sflag:s26], $0x80  }
0x7f: {  	[sflag:s26] =	ssyncset.done $0x0  }
0x80: {  	[sflag:s26] =	ssyncadd.s32 $0xFFFFFF80  }
0x81: {  	_ =	swait.ge [sflag:s7], $0x4000  }
0x82: {  	[sflag:s7] =	ssyncset.done $0x0  }
0x83: {  	s11 =	rddreg [dreg:$0x8];
	[sflag:s7] =	ssyncadd.s32 $0xFFFFC000  }
0x84: {  	[tilespmem:s28], [sflag:$0x2] =	stream.indirect.gather [hbm4b:s0+s23], $0x80, s2, s23, $0xb8;
	[tilespmem:$0x1C000] =	vst v63  }
0x85: {  	s12 =	rddreg [dreg:$0x7];
	s9 =	sadd.s32 $0x0, s11  }
0x86: {  	[tilespmem:s4], [sflag:$0x5] =	stream.linear.gather [hbm4b:s9+s4], $0x80, $0x38;
	[tilespmem:$0x1C000] =	vst v63  }
0x87: {  	s10 =	sadd.s32 $0x0, s12  }
0x88: {  	[tilespmem:s22], [sflag:$0x5] =	stream.linear.gather [hbm4b:s10+s4], $0x80, $0x38;
	[tilespmem:$0x1C000] =	vst v63  }
0x89: {  	_ =	swait.ge [sflag:s31], $0x4000  }
0x8a: {  	[sflag:s31] =	ssyncset.done $0x0  }
0x8b: {  	[sflag:s31] =	ssyncadd.s32 $0xFFFFC000  }
0x8c: {  	[spmem:s3] =	stream.indirect.scatter.add.f32 [tilespmem:s28], [sflag:$0x4], $0x80, s6, s23, $0xb8;
	[tilespmem:$0x1C000] =	vst v63  }
0x8d: {  	_ =	swait.ge [sflag:s26], $0x80  }
0x8e: {  	[sflag:s26] =	ssyncset.done $0x0  }
0x8f: {  	[sflag:s26] =	ssyncadd.s32 $0xFFFFFF80  }
0x90: {  	_ =	swait.ge [sflag:s26], $0x80  }
0x91: {  	[sflag:s26] =	ssyncset.done $0x0  }
0x92: {  	[sflag:s26] =	ssyncadd.s32 $0xFFFFFF80  }
0x93: {  	_ =	swait.ge [sflag:s1], $0x4000  }
0x94: {  	[sflag:s1] =	ssyncset.done $0x0  }
0x95: {  	s11 =	rddreg [dreg:$0x6];
	[sflag:s1] =	ssyncadd.s32 $0xFFFFC000  }
0x96: {  	[tilespmem:s20], [sflag:$0x1] =	stream.indirect.gather [hbm4b:s0+s23], $0x80, s4, s23, $0xb8;
	[tilespmem:$0x1C000] =	vst v63  }
0x97: {  	s12 =	rddreg [dreg:$0x5];
	s9 =	sadd.s32 $0x0, s11  }
0x98: {  	[tilespmem:s23], [sflag:$0x5] =	stream.linear.gather [hbm4b:s9+s4], $0x80, $0x38;
	[tilespmem:$0x1C000] =	vst v63  }
0x99: {  	s10 =	sadd.s32 $0x0, s12;
	s9 =	simm.s32 $0x40  }
.LBB2_4:
0x9a: {  	[tilespmem:s24], [sflag:$0x5] =	stream.linear.gather [hbm4b:s10+s4], $0x80, $0x38;
	[tilespmem:$0x1C000] =	vst v63  }
0x9b: {  	_ =	swait.ge [sflag:s25], $0x4000  }
0x9c: {  	[sflag:s25] =	ssyncset.done $0x0  }
0x9d: {  	[sflag:s25] =	ssyncadd.s32 $0xFFFFC000  }
0x9e: {  	[spmem:s3] =	stream.indirect.scatter.add.f32 [tilespmem:s20], [sflag:$0x3], $0x80, s22, s23, $0xb8;
	[tilespmem:$0x1C000] =	vst v63  }
0x9f: {  	_ =	swait.ge [sflag:s26], $0x80  }
0xa0: {  	[sflag:s26] =	ssyncset.done $0x0  }
0xa1: {  	[sflag:s26] =	ssyncadd.s32 $0xFFFFFF80  }
0xa2: {  	s10 =	smov.u32 s9;
	_ =	swait.ge [sflag:s26], $0x80  }
0xa3: {  	p1 =	seq.s32 s10, $0x0;
	[sflag:s26] =	ssyncset.done $0x0  }
0xa4: {  	s11 =	simm.s32 @!p1 $0x4;
	[sflag:s26] =	ssyncadd.s32 $0xFFFFFF80  }
0xa5: {  	_ =	swait.ge @!p1 [sflag:s11], $0x4000  }
0xa6: {  	[sflag:s11] =	ssyncset.done @!p1 $0x0  }
0xa7: {  	[sflag:s11] =	ssyncadd.s32 @!p1 $0xFFFFC000  }
0xa8: {  	[tilespmem:s28], [sflag:$0x2] =	stream.indirect.gather [hbm4b:s0+s23], $0x80, s23, s23, $0xb8;
	[tilespmem:$0x1C000] =	vst v63  }
0xa9: {  	s12 =	sadd.s32 s10, s19  }
0xaa: {  	[tilespmem:s29], [sflag:$0x5] =	stream.linear.gather [hbm4b:s12+s4], $0x80, $0x38;
	[tilespmem:$0x1C000] =	vst v63  }
0xab: {  	s12 =	sadd.s32 s10, s18  }
0xac: {  	[tilespmem:s30], [sflag:$0x5] =	stream.linear.gather [hbm4b:s12+s4], $0x80, $0x38;
	[tilespmem:$0x1C000] =	vst v63  }
0xad: {  	_ =	swait.ge [sflag:s31], $0x4000  }
0xae: {  	[sflag:s31] =	ssyncset.done $0x0  }
0xaf: {  	[sflag:s31] =	ssyncadd.s32 $0xFFFFC000  }
0xb0: {  	[spmem:s3] =	stream.indirect.scatter.add.f32 [tilespmem:s28], [sflag:$0x4], $0x80, s24, s23, $0xb8;
	[tilespmem:$0x1C000] =	vst v63  }
0xb1: {  	_ =	swait.ge [sflag:s26], $0x80  }
0xb2: {  	[sflag:s26] =	ssyncset.done $0x0  }
0xb3: {  	[sflag:s26] =	ssyncadd.s32 $0xFFFFFF80  }
0xb4: {  	_ =	swait.ge [sflag:s26], $0x80  }
0xb5: {  	[sflag:s26] =	ssyncset.done $0x0  }
0xb6: {  	[sflag:s26] =	ssyncadd.s32 $0xFFFFFF80  }
0xb7: {  	_ =	swait.ge [sflag:s1], $0x4000  }
0xb8: {  	[sflag:s1] =	ssyncset.done $0x0  }
0xb9: {  	[sflag:s1] =	ssyncadd.s32 $0xFFFFC000  }
0xba: {  	[tilespmem:s20], [sflag:$0x1] =	stream.indirect.gather [hbm4b:s0+s23], $0x80, s29, s23, $0xb8;
	[tilespmem:$0x1C000] =	vst v63  }
0xbb: {  	s12 =	sadd.s32 s10, s17  }
0xbc: {  	[tilespmem:s2], [sflag:$0x5] =	stream.linear.gather [hbm4b:s12+s4], $0x80, $0x38;
	[tilespmem:$0x1C000] =	vst v63  }
0xbd: {  	s12 =	sadd.s32 s10, s16  }
0xbe: {  	[tilespmem:s6], [sflag:$0x5] =	stream.linear.gather [hbm4b:s12+s4], $0x80, $0x38;
	[tilespmem:$0x1C000] =	vst v63  }
0xbf: {  	_ =	swait.ge [sflag:s25], $0x4000  }
0xc0: {  	[sflag:s25] =	ssyncset.done $0x0  }
0xc1: {  	[sflag:s25] =	ssyncadd.s32 $0xFFFFC000  }
0xc2: {  	[spmem:s3] =	stream.indirect.scatter.add.f32 [tilespmem:s20], [sflag:$0x3], $0x80, s30, s23, $0xb8;
	[tilespmem:$0x1C000] =	vst v63  }
0xc3: {  	_ =	swait.ge [sflag:s26], $0x80  }
0xc4: {  	[sflag:s26] =	ssyncset.done $0x0  }
0xc5: {  	[sflag:s26] =	ssyncadd.s32 $0xFFFFFF80  }
0xc6: {  	_ =	swait.ge [sflag:s26], $0x80  }
0xc7: {  	[sflag:s26] =	ssyncset.done $0x0  }
0xc8: {  	[sflag:s26] =	ssyncadd.s32 $0xFFFFFF80  }
0xc9: {  	_ =	swait.ge [sflag:s7], $0x4000  }
0xca: {  	[sflag:s7] =	ssyncset.done $0x0  }
0xcb: {  	s11 =	rddreg [dreg:$0x8];
	[sflag:s7] =	ssyncadd.s32 $0xFFFFC000  }
0xcc: {  	[tilespmem:s28], [sflag:$0x2] =	stream.indirect.gather [hbm4b:s0+s23], $0x80, s2, s23, $0xb8;
	[tilespmem:$0x1C000] =	vst v63  }
0xcd: {  	s12 =	rddreg [dreg:$0x7];
	s11 =	sadd.s32 s10, s11  }
0xce: {  	[tilespmem:s4], [sflag:$0x5] =	stream.linear.gather [hbm4b:s11+s4], $0x80, $0x38;
	[tilespmem:$0x1C000] =	vst v63  }
0xcf: {  	s12 =	sadd.s32 s10, s12  }
0xd0: {  	[tilespmem:s22], [sflag:$0x5] =	stream.linear.gather [hbm4b:s12+s4], $0x80, $0x38;
	[tilespmem:$0x1C000] =	vst v63  }
0xd1: {  	_ =	swait.ge [sflag:s31], $0x4000  }
0xd2: {  	[sflag:s31] =	ssyncset.done $0x0  }
0xd3: {  	[sflag:s31] =	ssyncadd.s32 $0xFFFFC000  }
0xd4: {  	[spmem:s3] =	stream.indirect.scatter.add.f32 [tilespmem:s28], [sflag:$0x4], $0x80, s6, s23, $0xb8;
	[tilespmem:$0x1C000] =	vst v63  }
0xd5: {  	_ =	swait.ge [sflag:s26], $0x80  }
0xd6: {  	[sflag:s26] =	ssyncset.done $0x0  }
0xd7: {  	[sflag:s26] =	ssyncadd.s32 $0xFFFFFF80  }
0xd8: {  	_ =	swait.ge [sflag:s26], $0x80  }
0xd9: {  	[sflag:s26] =	ssyncset.done $0x0  }
0xda: {  	s9 =	sadd.s32 $0x40, s9;
	[sflag:s26] =	ssyncadd.s32 $0xFFFFFF80  }
0xdb: {  	p0 =	sne.s32 s9, $0x500;
	_ =	swait.ge [sflag:s1], $0x4000  }
.Ltmp1:
0xdc: {  	[sflag:s1] =	ssyncset.done $0x0;
	s11 =	rddreg [dreg:$0x6];
	(pc) =	sbr.rel @p0 .LBB2_4-.Ltmp1, $4  }
0xdd: {  	s12 =	rddreg [dreg:$0x5];
	[sflag:s1] =	ssyncadd.s32 $0xFFFFC000  }
0xde: {  	[tilespmem:s20], [sflag:$0x1] =	stream.indirect.gather [hbm4b:s0+s23], $0x80, s4, s23, $0xb8;
	[tilespmem:$0x1C000] =	vst v63  }
0xdf: {  	s11 =	sadd.s32 s10, s11;
	s10 =	sadd.s32 s10, s12  }
0xe0: {  	[tilespmem:s23], [sflag:$0x5] =	stream.linear.gather [hbm4b:s11+s4], $0x80, $0x38;
	[tilespmem:$0x1C000] =	vst v63  }
0xe1: {  	[tilespmem:s24], [sflag:$0x5] =	stream.linear.gather [hbm4b:s10+s4], $0x80, $0x38;
	[tilespmem:$0x1C000] =	vst v63  }
0xe2: {  	_ =	swait.ge [sflag:s25], $0x4000  }
0xe3: {  	[sflag:s25] =	ssyncset.done $0x0  }
0xe4: {  	[sflag:s25] =	ssyncadd.s32 $0xFFFFC000  }
0xe5: {  	_ =	swait.ge [sflag:s26], $0x80  }
0xe6: {  	[sflag:s26] =	ssyncset.done $0x0  }
0xe7: {  	[sflag:s26] =	ssyncadd.s32 $0xFFFFFF80  }
0xe8: {  	_ =	swait.ge [sflag:s26], $0x80  }
0xe9: {  	[sflag:s26] =	ssyncset.done $0x0  }
0xea: {  	[sflag:s26] =	ssyncadd.s32 $0xFFFFFF80  }
0xeb: {  	s9 =	stileid.u32;
	_ =	swait.ge [sflag:s7], $0x4000  }
0xec: {  	s12 =	sshrl.u32 s5, $0x3;
	s8 =	sadd.s32 $0x1, s8;
	[sflag:s7] =	ssyncset.done $0x0  }
0xed: {  	s9 =	sshll.u32 s9, $0x6;
	p0 =	sne.s32 s8, s15;
	[sflag:s7] =	ssyncadd.s32 $0xFFFFC000  }
.Ltmp2:
0xee: {  	s9 =	sor.u32 $0x1C06, s9;
	[bflag:$0x0] =	sbarrier.arrive $0xFFFF;
	(pc) =	sbr.rel @p0 .LBB2_1-.Ltmp2, $4  }
0xef: {  	[hbm:s14], [sflag:s9] =	dma.local [spmem:s12], $0x2780  }
0xf0: {  	_ =	swait.ge [sflag:s21], $0x2780  }
0xf1: {  	[sflag:s21] =	ssyncset.done $0x0  }
0xf2: {  	[sflag:s21] =	ssyncadd.s32 $0xFFFFD880  }
0xf3: {  	_ =	sfence.sel $0x180000  }
0xf4: {  	[bflag:$0x0] =	sbarrier.arrive $0xFFFF  }
0xf5: {  	_ =	strace $0x90000047  }
0xf6: {  	s0 =	stileid.u32;
	[bflag:$0x2] =	sbarrier.arrive $0xFFFF  }
0xf7: {  	p0 =	sne.s32 s0, $0x0;
	s0 =	rddreg [dreg:$0x4]  }
0xf8: {  	s0 =	sadd.s32 @!p0 $0x100000, s0  }
0xf9: {  	[sflag:s0] =	ssyncadd.tile.s32 @!p0 $0x1;
	_ =	shalt  }
.Lfunc_end2:
_tile_overlayer_lowered:
.L_overlay_start_2:
0xfa: {  	(tag) =	ssettag $0x2  }
0xfb: {  	s0 =	rddreg [dreg:$0x0];
	s2 =	stileid.u32  }
0xfc: {  	s1 =	rddreg [dreg:$0x1];
	p0 =	sne.s32 s2, $0x0  }
0xfd: {  	s3 =	rddreg [dreg:$0x2];
	[bflag:$0x3] =	sbarrier.arrive $0xFFFF;
	s2 =	simm.s32 @!p0 $0x1C06  }
0xfe: {  	[timem:s3], [sflag:s2] =	dma.local @!p0 [hbm:s0], s1  }
0xff: {  	s0 =	simm.s32 @!p0 $0x6  }
0x100: {  	_ =	swait.ge @!p0 [sflag:s0], s1  }
0x101: {  	s1 =	ssub.s32 @!p0 $0x0, s1;
	[sflag:s0] =	ssyncset.done @!p0 $0x0  }
0x102: {  	[sflag:s0] =	ssyncadd.s32 @!p0 s1  }
0x103: {  	[bflag:$0x3] =	sbarrier.arrive $0xFFFF  }
0x104: {  	_ =	shalt  }

</sc_bundles>
